<compile_context>
chip_gen: v7x
topology: tpu7x:2x2x1
jax: 0.10.2.dev20260603
libtpu: 0.0.44.dev20260713+nightly
codegen_flags: <defaults>
</compile_context>

<pallas_src>
import functools

import jax
import jax.numpy as jnp
from jax import lax
from jax.experimental import pallas as pl
from jax.experimental.pallas import tpu as pltpu
from jax.experimental.pallas import tpu_sc as plsc

_E = 64
_K = 2
_CAPF = 1.25
_LBW = 0.01
_TBLK = 4096
_NS = 16
_NL = 16



def _tc1_body(x_ref, w_ref, probs_ref, pack_ref, tkp0_ref, tkp1_ref,
              gsum_ref):
    i = pl.program_id(0)
    t = x_ref.shape[1]
    x = x_ref[0]
    w = w_ref[...]
    nt = (((1,), (1,)), ((), ()))

    lt = lax.dot_general(w, x, nt, preferred_element_type=jnp.float32)
    mt = jnp.max(lt, axis=0, keepdims=True)
    et = jnp.exp(lt - mt)
    st = jnp.sum(et, axis=0, keepdims=True)
    pt = et / st
    probs_ref[0] = pt

    iota = lax.broadcasted_iota(jnp.int32, pt.shape, 0)
    m1 = jnp.max(pt, axis=0, keepdims=True)
    i1 = jnp.min(jnp.where(pt >= m1, iota, _E), axis=0, keepdims=True)
    pm = jnp.where(iota == i1, -1.0, pt)
    m2 = jnp.max(pm, axis=0, keepdims=True)
    i2 = jnp.min(jnp.where(pm >= m2, iota, _E), axis=0, keepdims=True)

    pack_ref[...] = (i1 * _E + i2).reshape(t)
    tkp0_ref[...] = m1.reshape(t)
    tkp1_ref[...] = m2.reshape(t)

    @pl.when(i == 0)
    def _():
        gsum_ref[...] = jnp.zeros_like(gsum_ref)

    ones = jnp.ones((1, t), jnp.float32)
    gsum_ref[0:1, 0:_E] += lax.dot_general(
        ones, pt, nt, preferred_element_type=jnp.float32)


def _tc1_call(x, w):
    bb, ss, d = x.shape
    n = bb * ss
    t = _TBLK
    grid = n // t
    pb = ss // t
    return pl.pallas_call(
        _tc1_body,
        grid=(grid,),
        in_specs=[
            pl.BlockSpec((1, t, d), lambda i: (i // pb, i % pb, 0)),
            pl.BlockSpec((_E, d), lambda i: (0, 0)),
        ],
        out_specs=[
            pl.BlockSpec((1, _E, t), lambda i: (i // pb, 0, i % pb)),
            pl.BlockSpec((t,), lambda i: (i,)),
            pl.BlockSpec((t,), lambda i: (i,)),
            pl.BlockSpec((t,), lambda i: (i,)),
            pl.BlockSpec((8, 128), lambda i: (0, 0)),
        ],
        out_shape=[
            jax.ShapeDtypeStruct((bb, _E, ss), jnp.float32),
            jax.ShapeDtypeStruct((n,), jnp.int32),
            jax.ShapeDtypeStruct((n,), jnp.float32),
            jax.ShapeDtypeStruct((n,), jnp.float32),
            jax.ShapeDtypeStruct((8, 128), jnp.float32),
        ],
    )(x, w)



def _sc_build(n_tokens, cap):
    ch = n_tokens // _NS
    cl = ch // _NL
    f_total = n_tokens * _K
    lscale = jnp.float32(_E * _LBW / (n_tokens * f_total))
    mesh = plsc.VectorSubcoreMesh(core_axis_name="c", subcore_axis_name="s",
                                  num_cores=1)

    @functools.partial(
        pl.kernel,
        mesh=mesh,
        compiler_params=pltpu.CompilerParams(needs_layout_passes=False),
        out_type=[
            jax.ShapeDtypeStruct((f_total,), jnp.int32),
            jax.ShapeDtypeStruct((f_total,), jnp.float32),
            jax.ShapeDtypeStruct((f_total,), jnp.float32),
            jax.ShapeDtypeStruct((_NL,), jnp.float32),
        ],
        scratch_types=[
            pltpu.VMEM((ch,), jnp.int32),
            pltpu.VMEM((ch,), jnp.float32),
            pltpu.VMEM((ch,), jnp.float32),
            pltpu.VMEM((_E * _NL,), jnp.int32),
            pltpu.VMEM((_E * _NL,), jnp.int32),
            pltpu.VMEM((_E,), jnp.int32),
            pltpu.VMEM((_E,), jnp.int32),
            pltpu.VMEM((_NS * _E,), jnp.int32),
            pltpu.VMEM((_K * ch,), jnp.int32),
            pltpu.VMEM((_K * ch,), jnp.float32),
            pltpu.VMEM((_K * ch,), jnp.float32),
            pltpu.VMEM((128,), jnp.float32),
            pltpu.VMEM((_NL,), jnp.float32),
            pltpu.VMEM_SHARED((_NS * _E,), jnp.int32),
            pltpu.SemaphoreType.DMA,
            pltpu.SemaphoreType.DMA,
        ],
    )
    def sc_kernel(pack_hbm, tkp0_hbm, tkp1_hbm, gsum_hbm,
                  tki_hbm, norm_hbm, maskf_hbm, loss_hbm,
                  pack_v, tkp0_v, tkp1_v, tbl_v, incl_v, sub_v, basew_v,
                  allsub_v, tki_v, norm_v, maskf_v, gsum_v, loss_v, board,
                  in_sem, out_sem):
        sid = lax.axis_index("s")
        base = sid * ch
        lane = lax.iota(jnp.int32, _NL)
        zero16 = jnp.zeros((_NL,), jnp.int32)

        cin0 = pltpu.async_copy(pack_hbm.at[pl.ds(base, ch)], pack_v, in_sem)
        cin1 = pltpu.async_copy(tkp0_hbm.at[pl.ds(base, ch)], tkp0_v, in_sem)
        cin2 = pltpu.async_copy(tkp1_hbm.at[pl.ds(base, ch)], tkp1_v, in_sem)

        @plsc.parallel_loop(0, _E, unroll=4)
        def _zero_tbl(j):
            plsc.store_scatter(tbl_v, [j * _NL + lane], zero16)

        cin0.wait()

        def hist_one(tau):
            v = plsc.load_gather(pack_v, [tau])
            e0 = v >> 6
            e1 = v & 63
            t0 = e0 * _NL + lane
            t1 = e1 * _NL + lane
            c0 = plsc.load_gather(tbl_v, [t0])
            c1 = plsc.load_gather(tbl_v, [t1])
            plsc.store_scatter(tbl_v, [t0], c0 + 1)
            plsc.store_scatter(tbl_v, [t1], c1 + 1)
            pos0 = (tau >> 7) * 256 + (tau & 127)
            plsc.store_scatter(tki_v, [pos0], e0)
            plsc.store_scatter(tki_v, [pos0 + 128], e1)

        def hist_step(j, _):
            hist_one(lane * cl + 4 * j)
            hist_one(lane * cl + 4 * j + 1)
            hist_one(lane * cl + 4 * j + 2)
            hist_one(lane * cl + 4 * j + 3)
            return 0
        lax.fori_loop(0, cl // 4, hist_step, 0)

        cout0 = pltpu.async_copy(
            tki_v, tki_hbm.at[pl.ds(sid * _K * ch, _K * ch)], out_sem)

        @plsc.parallel_loop(0, _E, unroll=2)
        def _scan_row(e):
            row = plsc.load_gather(tbl_v, [e * _NL + lane])
            incl = plsc.cumsum(row)
            plsc.store_scatter(tbl_v, [e * _NL + lane], incl - row)
            plsc.store_scatter(incl_v, [e * _NL + lane], incl)

        @plsc.parallel_loop(0, _E // _NL)
        def _grab_totals(c):
            er = c * _NL + lane
            s = plsc.load_gather(incl_v, [er * _NL + (_NL - 1)])
            plsc.store_scatter(sub_v, [er], s)

        pltpu.sync_copy(sub_v, board.at[pl.ds(sid * _E, _E)])
        plsc.subcore_barrier()
        pltpu.sync_copy(board, allsub_v)

        def zero_bw(c, _):
            plsc.store_scatter(basew_v, [c * _NL + lane], zero16)
            return 0
        lax.fori_loop(0, _E // _NL, zero_bw, 0)

        def add_prev(w, _):
            def add_chunk(c, _c):
                er = c * _NL + lane
                v = plsc.load_gather(allsub_v, [w * _E + er])
                b = plsc.load_gather(basew_v, [er])
                plsc.store_scatter(basew_v, [er], b + v)
                return 0
            lax.fori_loop(0, _E // _NL, add_chunk, 0)
            return 0
        lax.fori_loop(0, sid, add_prev, 0)

        @plsc.parallel_loop(0, _E, unroll=2)
        def _fold(e):
            bw = plsc.load_gather(basew_v, [zero16 + e])
            row = plsc.load_gather(tbl_v, [e * _NL + lane])
            plsc.store_scatter(tbl_v, [e * _NL + lane], row + bw)

        cin1.wait()
        cin2.wait()

        fone = jnp.full((_NL,), 1.0, jnp.float32)
        fzero = jnp.zeros((_NL,), jnp.float32)

        def rank_one(tau):
            v = plsc.load_gather(pack_v, [tau])
            e0 = v >> 6
            e1 = v & 63
            t0 = e0 * _NL + lane
            t1 = e1 * _NL + lane
            r0 = plsc.load_gather(tbl_v, [t0])
            r1 = plsc.load_gather(tbl_v, [t1])
            plsc.store_scatter(tbl_v, [t0], r0 + 1)
            plsc.store_scatter(tbl_v, [t1], r1 + 1)
            m0 = jnp.where(r0 < cap, fone, fzero)
            m1 = jnp.where(r1 < cap, fone, fzero)
            pos0 = (tau >> 7) * 256 + (tau & 127)
            plsc.store_scatter(maskf_v, [pos0], m0)
            plsc.store_scatter(maskf_v, [pos0 + 128], m1)
            p0 = plsc.load_gather(tkp0_v, [tau])
            p1 = plsc.load_gather(tkp1_v, [tau])
            a = p0 * m0
            b = p1 * m1
            s = jnp.maximum(a + b, jnp.float32(1e-8))
            plsc.store_scatter(norm_v, [pos0], a / s)
            plsc.store_scatter(norm_v, [pos0 + 128], b / s)

        def rank_step(j, _):
            rank_one(lane * cl + 4 * j)
            rank_one(lane * cl + 4 * j + 1)
            rank_one(lane * cl + 4 * j + 2)
            rank_one(lane * cl + 4 * j + 3)
            return 0
        lax.fori_loop(0, cl // 4, rank_step, 0)

        obase = sid * _K * ch
        cout1 = pltpu.async_copy(norm_v, norm_hbm.at[pl.ds(obase, _K * ch)],
                                 out_sem)
        cout2 = pltpu.async_copy(maskf_v, maskf_hbm.at[pl.ds(obase, _K * ch)],
                                 out_sem)
        cout0.wait()
        cout1.wait()
        cout2.wait()

        @pl.when(sid == 0)
        def _loss():
            pltpu.sync_copy(gsum_hbm.at[0], gsum_v)

            def acc_chunk(c, acc):
                er = c * _NL + lane

                def acc_w(w, a):
                    v = plsc.load_gather(allsub_v, [w * _E + er])
                    return a + v
                cnt = lax.fori_loop(0, _NS, acc_w, zero16)
                g = plsc.load_gather(gsum_v, [er])
                return acc + g * cnt.astype(jnp.float32)

            acc = lax.fori_loop(0, _E // _NL, acc_chunk,
                                jnp.zeros((_NL,), jnp.float32))
            loss = jnp.sum(acc) * lscale
            loss_v[...] = jnp.zeros((_NL,), jnp.float32) + loss
            pltpu.sync_copy(loss_v, loss_hbm)

    return sc_kernel



def kernel(hidden_states, W_gate):
    b, s, d = hidden_states.shape
    e = W_gate.shape[0]
    n = b * s
    cap = max(int((n / e) * _CAPF), 1)

    probs_t, pack, tkp0, tkp1, gsum = _tc1_call(hidden_states, W_gate)
    gate_probs = jnp.transpose(probs_t, (0, 2, 1))

    sc = _sc_build(n, cap)
    tki_f, norm_f, mask_f, loss_v = sc(pack, tkp0, tkp1, gsum)

    def leaf(z):
        return (z.reshape(b, s // 128, _K, 128)
                 .transpose(0, 1, 3, 2)
                 .reshape(b, s, _K))

    return (leaf(tki_f), leaf(norm_f), gate_probs, loss_v[0], leaf(mask_f))

# --- scband reference (transcript-rebuilt; emitter-appended) ---
"""Pipeline reference for scband-gating-network-91027536872044 (READ-ONLY COPY).

The authoritative reference and input builder live on the scoring server;
editing this copy changes nothing except your own understanding.
"""

import jax, jax.numpy as jnp
import numpy as np

B, S, D, E, K = 4, 4096, 768, 64, 2
CAP_FACTOR = 1.25
TEMP = 1.0
LB_W = 0.01


def setup_inputs(seed: int = 0) -> dict:
    key = jax.random.key(seed)
    k1, k2 = jax.random.split(key)
    hidden_states = jax.random.normal(k1, (B, S, D), dtype=jnp.float32)
    # gate weight initialized uniform(-0.1, 0.1) as in _init_weights
    W_gate = jax.random.uniform(k2, (E, D), dtype=jnp.float32, minval=-0.1, maxval=0.1)
    return {"hidden_states": hidden_states, "W_gate": W_gate}


def reference(hidden_states, W_gate):
    # Eval-mode forward (self.training == False): no noise path.
    b, s, d = hidden_states.shape
    gate_logits = hidden_states @ W_gate.T
    gate_logits = gate_logits / TEMP
    gate_probs = jax.nn.softmax(gate_logits, axis=-1)
    top_k_probs, top_k_indices = jax.lax.top_k(gate_probs, K)

    # expert capacity (static, computed from shapes)
    total_tokens = b * s
    capacity = max(int((total_tokens / E) * CAP_FACTOR), 1)

    # capacity constraints: sequential first-come-first-served in flattened
    # (pos-major, then k) order == rank of each assignment within its expert
    flat = top_k_indices.reshape(-1)  # [b*s*K]
    oh = jax.nn.one_hot(flat, E, dtype=jnp.float32)
    cum = jnp.cumsum(oh, axis=0)
    pos_in_expert = jnp.take_along_axis(cum, flat[:, None], axis=1)[:, 0] - 1.0
    capacity_mask = (pos_in_expert < capacity).astype(jnp.float32).reshape(b, s, K)

    masked_probs = top_k_probs * capacity_mask
    prob_sum = masked_probs.sum(axis=-1, keepdims=True)
    prob_sum = jnp.clip(prob_sum, 1e-08, None)
    normalized_probs = masked_probs / prob_sum

    # load balance loss
    gate_mean = gate_probs.mean(axis=(0, 1))
    expert_mask = jax.nn.one_hot(top_k_indices, E, dtype=jnp.float32)
    expert_fraction = expert_mask.sum(axis=(0, 1, 2)) / (b * s * K)
    load_balance_loss = jnp.sum(gate_mean * expert_fraction) * E * LB_W

    return (top_k_indices, normalized_probs, gate_probs, load_balance_loss, capacity_mask)

if __name__ == "__main__":
    import jax
    _d = setup_inputs()
    print(jax.jit(kernel)(*tuple(_d.values())))

</pallas_src>

<mosaic_0001>
#map = affine_map<(d0, d1) -> (0)>
#map1 = affine_map<(d0, d1) -> (0, 0)>
module attributes {stable_mosaic.version = 14 : i64} {
  func.func @_rewritten_body(%arg0: i32, %arg1: i32, %arg2: memref<16384xi32, #tpu.memory_space<hbm>>, %arg3: memref<16384xf32, #tpu.memory_space<hbm>>, %arg4: memref<16384xf32, #tpu.memory_space<hbm>>, %arg5: memref<8x128xf32, #tpu.memory_space<hbm>>, %arg6: memref<1xf32, #tpu.memory_space<hbm>>, %arg7: memref<32768xi32, #tpu.memory_space<hbm>>, %arg8: memref<32768xf32, #tpu.memory_space<hbm>>, %arg9: memref<32768xf32, #tpu.memory_space<hbm>>, %arg10: memref<16xf32, #tpu.memory_space<hbm>>, %arg11: memref<1024xi32, #tpu.memory_space<vmem>>, %arg12: memref<1024xf32, #tpu.memory_space<vmem>>, %arg13: memref<1024xf32, #tpu.memory_space<vmem>>, %arg14: memref<1024xi32, #tpu.memory_space<vmem>>, %arg15: memref<1024xi32, #tpu.memory_space<vmem>>, %arg16: memref<64xi32, #tpu.memory_space<vmem>>, %arg17: memref<64xi32, #tpu.memory_space<vmem>>, %arg18: memref<1024xi32, #tpu.memory_space<vmem>>, %arg19: memref<2048xi32, #tpu.memory_space<vmem>>, %arg20: memref<2048xf32, #tpu.memory_space<vmem>>, %arg21: memref<2048xf32, #tpu.memory_space<vmem>>, %arg22: memref<128xf32, #tpu.memory_space<vmem>>, %arg23: memref<16xf32, #tpu.memory_space<vmem>>, %arg24: memref<1024xi32, #tpu.memory_space<vmem_shared>>, %arg25: memref<!tpu.dma_semaphore, #tpu.memory_space<semaphore_mem>>, %arg26: memref<!tpu.dma_semaphore, #tpu.memory_space<semaphore_mem>>) attributes {dimension_semantics = [#tpu.dimension_semantics<core_parallel>, #tpu.dimension_semantics<subcore_parallel>], iteration_bounds = array<i64: 1, 16>, scalar_prefetch = 0 : i64, scratch_operands = 16 : i64, tpu.core_type = #tpu.core_type<sc_vector_subcore>, window_params = [{transform_indices = #map}, {transform_indices = #map}, {transform_indices = #map}, {transform_indices = #map1}, {transform_indices = #map}, {transform_indices = #map}, {transform_indices = #map}, {transform_indices = #map}, {transform_indices = #map}]} {
    %empty_ref3A = memref.alloca() : memref<16xf32, #tpu.memory_space<vmem>>
    "tpu.region"() ({
      %run_scoped3A = tpu.sem_alloc : memref<!tpu.dma_semaphore, #tpu.memory_space<semaphore_mem>>
      %dma_start3A_83 = arith.constant 0 : i32
      %dma_start3A_84 = tpu.memref_slice %empty_ref3A[%dma_start3A_83] : memref<16xf32, #tpu.memory_space<vmem>> -> memref<1xf32, #tpu.memory_space<vmem>>
      %dma_start3A_85 = arith.constant 0 : i32
      %dma_start3A_86 = tpu.memref_slice %empty_ref3A[%dma_start3A_85] : memref<16xf32, #tpu.memory_space<vmem>> -> memref<1xf32, #tpu.memory_space<vmem>>
      tpu.enqueue_dma source(%arg6 : memref<1xf32, #tpu.memory_space<hbm>>) target(%dma_start3A_86 : memref<1xf32, #tpu.memory_space<vmem>>) target_semaphore(%run_scoped3A : memref<!tpu.dma_semaphore, #tpu.memory_space<semaphore_mem>>)
      %dma_wait3A_87 = arith.constant 0 : i32
      %dma_wait3A_88 = tpu.memref_slice %empty_ref3A[%dma_wait3A_87] : memref<16xf32, #tpu.memory_space<vmem>> -> memref<1xf32, #tpu.memory_space<vmem>>
      %dma_wait3A_89 = arith.constant 0 : i32
      %dma_wait3A_90 = tpu.memref_slice %empty_ref3A[%dma_wait3A_89] : memref<16xf32, #tpu.memory_space<vmem>> -> memref<1xf32, #tpu.memory_space<vmem>>
      tpu.wait_dma2 semaphore(%run_scoped3A : memref<!tpu.dma_semaphore, #tpu.memory_space<semaphore_mem>>) src(%arg6 : memref<1xf32, #tpu.memory_space<hbm>>) dst(%dma_wait3A_90 : memref<1xf32, #tpu.memory_space<vmem>>)
      tpu.yield
    }) : () -> ()
    %get3A = arith.constant 0 : index
    %get3A_0 = tpu.vector_load %empty_ref3A[%get3A] {strides = array<i32>} : memref<16xf32, #tpu.memory_space<vmem>>, vector<16xf32>,
    %slice3A = vector.extract_strided_slice %get3A_0 {offsets = [0], sizes = [1], strides = [1]} : vector<16xf32> to vector<1xf32>
    %squeeze3A = vector.extract %slice3A[0] : f32 from vector<1xf32>
    %mul3A = arith.constant 1024 : i32
    %mul3A_1 = arith.muli %arg1, %mul3A : i32
    %iota3A = tpu.iota {dimensions = array<i32: 0>} : vector<16xi32>
    %broadcast_in_dim3A = arith.constant 0 : i32
    %broadcast_in_dim3A_2 = vector.broadcast %broadcast_in_dim3A : i32 to vector<16xi32>
    %dma_start3A = tpu.memref_slice %arg2[%mul3A_1] : memref<16384xi32, #tpu.memory_space<hbm>> -> memref<1024xi32, #tpu.memory_space<hbm>>
    %dma_start3A_3 = tpu.memref_slice %arg2[%mul3A_1] : memref<16384xi32, #tpu.memory_space<hbm>> -> memref<1024xi32, #tpu.memory_space<hbm>>
    tpu.enqueue_dma source(%dma_start3A_3 : memref<1024xi32, #tpu.memory_space<hbm>>) target(%arg11 : memref<1024xi32, #tpu.memory_space<vmem>>) target_semaphore(%arg25 : memref<!tpu.dma_semaphore, #tpu.memory_space<semaphore_mem>>)
    %dma_start3A_4 = tpu.memref_slice %arg3[%mul3A_1] : memref<16384xf32, #tpu.memory_space<hbm>> -> memref<1024xf32, #tpu.memory_space<hbm>>
    %dma_start3A_5 = tpu.memref_slice %arg3[%mul3A_1] : memref<16384xf32, #tpu.memory_space<hbm>> -> memref<1024xf32, #tpu.memory_space<hbm>>
    tpu.enqueue_dma source(%dma_start3A_5 : memref<1024xf32, #tpu.memory_space<hbm>>) target(%arg12 : memref<1024xf32, #tpu.memory_space<vmem>>) target_semaphore(%arg25 : memref<!tpu.dma_semaphore, #tpu.memory_space<semaphore_mem>>)
    %dma_start3A_6 = tpu.memref_slice %arg4[%mul3A_1] : memref<16384xf32, #tpu.memory_space<hbm>> -> memref<1024xf32, #tpu.memory_space<hbm>>
    %dma_start3A_7 = tpu.memref_slice %arg4[%mul3A_1] : memref<16384xf32, #tpu.memory_space<hbm>> -> memref<1024xf32, #tpu.memory_space<hbm>>
    tpu.enqueue_dma source(%dma_start3A_7 : memref<1024xf32, #tpu.memory_space<hbm>>) target(%arg13 : memref<1024xf32, #tpu.memory_space<vmem>>) target_semaphore(%arg25 : memref<!tpu.dma_semaphore, #tpu.memory_space<semaphore_mem>>)
    %parallel_loop3A = arith.constant 0 : i32
    %parallel_loop3A_8 = arith.constant 64 : i32
    %parallel_loop3A_9 = arith.constant 1 : i32
    scf.for %parallel_loop3A_83 = %parallel_loop3A to %parallel_loop3A_8 step %parallel_loop3A_9  : i32 {
      %parallel_loop3A_84 = arith.constant 16 : i32
      %parallel_loop3A_85 = arith.muli %parallel_loop3A_83, %parallel_loop3A_84 : i32
      %parallel_loop3A_86 = vector.broadcast %parallel_loop3A_85 : i32 to vector<16xi32>
      %parallel_loop3A_87 = arith.addi %parallel_loop3A_86, %iota3A : vector<16xi32>
      tpu.vector_store_idx %arg14[%parallel_loop3A_87], %broadcast_in_dim3A_2 : memref<1024xi32, #tpu.memory_space<vmem>>[vector<16xi32>], vector<16xi32>,
    } {sc.loop_unroll_factor = 4 : i64, sc.parallel_access}
    %dma_wait3A = tpu.memref_slice %arg2[%mul3A_1] : memref<16384xi32, #tpu.memory_space<hbm>> -> memref<1024xi32, #tpu.memory_space<hbm>>
    %dma_wait3A_10 = tpu.memref_slice %arg2[%mul3A_1] : memref<16384xi32, #tpu.memory_space<hbm>> -> memref<1024xi32, #tpu.memory_space<hbm>>
    tpu.wait_dma2 semaphore(%arg25 : memref<!tpu.dma_semaphore, #tpu.memory_space<semaphore_mem>>) src(%dma_wait3A_10 : memref<1024xi32, #tpu.memory_space<hbm>>) dst(%arg11 : memref<1024xi32, #tpu.memory_space<vmem>>)
    %scan3A = arith.constant 0 : i32
    %scan3A_11 = arith.constant 0 : i32
    %scan3A_12 = arith.constant 16 : i32
    %scan3A_13 = arith.addi %scan3A_11, %scan3A_12 : i32
    %scan3A_14 = arith.constant 1 : i32
    %scan3A_15 = scf.for %scan3A_83 = %scan3A_11 to %scan3A_13 step %scan3A_14 iter_args(%scan3A_84 = %scan3A) -> (i32)  : i32 {
      %mul3A_85 = arith.constant 64 : i32
      %mul3A_86 = vector.broadcast %mul3A_85 : i32 to vector<16xi32>
      %mul3A_87 = arith.muli %iota3A, %mul3A_86 : vector<16xi32>
      %mul3A_88 = arith.constant 4 : i32
      %mul3A_89 = arith.muli %mul3A_88, %scan3A_83 : i32
      %add3A = vector.broadcast %mul3A_89 : i32 to vector<16xi32>
      %add3A_90 = arith.addi %mul3A_87, %add3A : vector<16xi32>
      %gather3A = tpu.vector_load_idx %arg11[%add3A_90] : memref<1024xi32, #tpu.memory_space<vmem>>[vector<16xi32>], vector<16xi32>,
      %shift_right_arithmetic3A = arith.constant 6 : i32
      %shift_right_arithmetic3A_91 = vector.broadcast %shift_right_arithmetic3A : i32 to vector<16xi32>
      %shift_right_arithmetic3A_92 = arith.shrsi %gather3A, %shift_right_arithmetic3A_91 : vector<16xi32>
      %and3A = arith.constant 63 : i32
      %and3A_93 = vector.broadcast %and3A : i32 to vector<16xi32>
      %and3A_94 = arith.andi %gather3A, %and3A_93 : vector<16xi32>
      %mul3A_95 = arith.constant 16 : i32
      %mul3A_96 = vector.broadcast %mul3A_95 : i32 to vector<16xi32>
      %mul3A_97 = arith.muli %shift_right_arithmetic3A_92, %mul3A_96 : vector<16xi32>
      %add3A_98 = arith.addi %mul3A_97, %iota3A : vector<16xi32>
      %mul3A_99 = arith.constant 16 : i32
      %mul3A_100 = vector.broadcast %mul3A_99 : i32 to vector<16xi32>
      %mul3A_101 = arith.muli %and3A_94, %mul3A_100 : vector<16xi32>
      %add3A_102 = arith.addi %mul3A_101, %iota3A : vector<16xi32>
      %gather3A_103 = tpu.vector_load_idx %arg14[%add3A_98] : memref<1024xi32, #tpu.memory_space<vmem>>[vector<16xi32>], vector<16xi32>,
      %gather3A_104 = tpu.vector_load_idx %arg14[%add3A_102] : memref<1024xi32, #tpu.memory_space<vmem>>[vector<16xi32>], vector<16xi32>,
      %add3A_105 = arith.constant 1 : i32
      %add3A_106 = vector.broadcast %add3A_105 : i32 to vector<16xi32>
      %add3A_107 = arith.addi %gather3A_103, %add3A_106 : vector<16xi32>
      tpu.vector_store_idx %arg14[%add3A_98], %add3A_107 : memref<1024xi32, #tpu.memory_space<vmem>>[vector<16xi32>], vector<16xi32>,
      %add3A_108 = arith.constant 1 : i32
      %add3A_109 = vector.broadcast %add3A_108 : i32 to vector<16xi32>
      %add3A_110 = arith.addi %gather3A_104, %add3A_109 : vector<16xi32>
      tpu.vector_store_idx %arg14[%add3A_102], %add3A_110 : memref<1024xi32, #tpu.memory_space<vmem>>[vector<16xi32>], vector<16xi32>,
      %shift_right_arithmetic3A_111 = arith.constant 7 : i32
      %shift_right_arithmetic3A_112 = vector.broadcast %shift_right_arithmetic3A_111 : i32 to vector<16xi32>
      %shift_right_arithmetic3A_113 = arith.shrsi %add3A_90, %shift_right_arithmetic3A_112 : vector<16xi32>
      %mul3A_114 = arith.constant 256 : i32
      %mul3A_115 = vector.broadcast %mul3A_114 : i32 to vector<16xi32>
      %mul3A_116 = arith.muli %shift_right_arithmetic3A_113, %mul3A_115 : vector<16xi32>
      %and3A_117 = arith.constant 127 : i32
      %and3A_118 = vector.broadcast %and3A_117 : i32 to vector<16xi32>
      %and3A_119 = arith.andi %add3A_90, %and3A_118 : vector<16xi32>
      %add3A_120 = arith.addi %mul3A_116, %and3A_119 : vector<16xi32>
      tpu.vector_store_idx %arg19[%add3A_120], %shift_right_arithmetic3A_92 : memref<2048xi32, #tpu.memory_space<vmem>>[vector<16xi32>], vector<16xi32>,
      %add3A_121 = arith.constant 128 : i32
      %add3A_122 = vector.broadcast %add3A_121 : i32 to vector<16xi32>
      %add3A_123 = arith.addi %add3A_120, %add3A_122 : vector<16xi32>
      tpu.vector_store_idx %arg19[%add3A_123], %and3A_94 : memref<2048xi32, #tpu.memory_space<vmem>>[vector<16xi32>], vector<16xi32>,
      %mul3A_124 = arith.constant 64 : i32
      %mul3A_125 = vector.broadcast %mul3A_124 : i32 to vector<16xi32>
      %mul3A_126 = arith.muli %iota3A, %mul3A_125 : vector<16xi32>
      %mul3A_127 = arith.constant 4 : i32
      %mul3A_128 = arith.muli %mul3A_127, %scan3A_83 : i32
      %add3A_129 = vector.broadcast %mul3A_128 : i32 to vector<16xi32>
      %add3A_130 = arith.addi %mul3A_126, %add3A_129 : vector<16xi32>
      %add3A_131 = arith.constant 1 : i32
      %add3A_132 = vector.broadcast %add3A_131 : i32 to vector<16xi32>
      %add3A_133 = arith.addi %add3A_130, %add3A_132 : vector<16xi32>
      %gather3A_134 = tpu.vector_load_idx %arg11[%add3A_133] : memref<1024xi32, #tpu.memory_space<vmem>>[vector<16xi32>], vector<16xi32>,
      %shift_right_arithmetic3A_135 = arith.constant 6 : i32
      %shift_right_arithmetic3A_136 = vector.broadcast %shift_right_arithmetic3A_135 : i32 to vector<16xi32>
      %shift_right_arithmetic3A_137 = arith.shrsi %gather3A_134, %shift_right_arithmetic3A_136 : vector<16xi32>
      %and3A_138 = arith.constant 63 : i32
      %and3A_139 = vector.broadcast %and3A_138 : i32 to vector<16xi32>
      %and3A_140 = arith.andi %gather3A_134, %and3A_139 : vector<16xi32>
      %mul3A_141 = arith.constant 16 : i32
      %mul3A_142 = vector.broadcast %mul3A_141 : i32 to vector<16xi32>
      %mul3A_143 = arith.muli %shift_right_arithmetic3A_137, %mul3A_142 : vector<16xi32>
      %add3A_144 = arith.addi %mul3A_143, %iota3A : vector<16xi32>
      %mul3A_145 = arith.constant 16 : i32
      %mul3A_146 = vector.broadcast %mul3A_145 : i32 to vector<16xi32>
      %mul3A_147 = arith.muli %and3A_140, %mul3A_146 : vector<16xi32>
      %add3A_148 = arith.addi %mul3A_147, %iota3A : vector<16xi32>
      %gather3A_149 = tpu.vector_load_idx %arg14[%add3A_144] : memref<1024xi32, #tpu.memory_space<vmem>>[vector<16xi32>], vector<16xi32>,
      %gather3A_150 = tpu.vector_load_idx %arg14[%add3A_148] : memref<1024xi32, #tpu.memory_space<vmem>>[vector<16xi32>], vector<16xi32>,
      %add3A_151 = arith.constant 1 : i32
      %add3A_152 = vector.broadcast %add3A_151 : i32 to vector<16xi32>
      %add3A_153 = arith.addi %gather3A_149, %add3A_152 : vector<16xi32>
      tpu.vector_store_idx %arg14[%add3A_144], %add3A_153 : memref<1024xi32, #tpu.memory_space<vmem>>[vector<16xi32>], vector<16xi32>,
      %add3A_154 = arith.constant 1 : i32
      %add3A_155 = vector.broadcast %add3A_154 : i32 to vector<16xi32>
      %add3A_156 = arith.addi %gather3A_150, %add3A_155 : vector<16xi32>
      tpu.vector_store_idx %arg14[%add3A_148], %add3A_156 : memref<1024xi32, #tpu.memory_space<vmem>>[vector<16xi32>], vector<16xi32>,
      %shift_right_arithmetic3A_157 = arith.constant 7 : i32
      %shift_right_arithmetic3A_158 = vector.broadcast %shift_right_arithmetic3A_157 : i32 to vector<16xi32>
      %shift_right_arithmetic3A_159 = arith.shrsi %add3A_133, %shift_right_arithmetic3A_158 : vector<16xi32>
      %mul3A_160 = arith.constant 256 : i32
      %mul3A_161 = vector.broadcast %mul3A_160 : i32 to vector<16xi32>
      %mul3A_162 = arith.muli %shift_right_arithmetic3A_159, %mul3A_161 : vector<16xi32>
      %and3A_163 = arith.constant 127 : i32
      %and3A_164 = vector.broadcast %and3A_163 : i32 to vector<16xi32>
      %and3A_165 = arith.andi %add3A_133, %and3A_164 : vector<16xi32>
      %add3A_166 = arith.addi %mul3A_162, %and3A_165 : vector<16xi32>
      tpu.vector_store_idx %arg19[%add3A_166], %shift_right_arithmetic3A_137 : memref<2048xi32, #tpu.memory_space<vmem>>[vector<16xi32>], vector<16xi32>,
      %add3A_167 = arith.constant 128 : i32
      %add3A_168 = vector.broadcast %add3A_167 : i32 to vector<16xi32>
      %add3A_169 = arith.addi %add3A_166, %add3A_168 : vector<16xi32>
      tpu.vector_store_idx %arg19[%add3A_169], %and3A_140 : memref<2048xi32, #tpu.memory_space<vmem>>[vector<16xi32>], vector<16xi32>,
      %mul3A_170 = arith.constant 64 : i32
      %mul3A_171 = vector.broadcast %mul3A_170 : i32 to vector<16xi32>
      %mul3A_172 = arith.muli %iota3A, %mul3A_171 : vector<16xi32>
      %mul3A_173 = arith.constant 4 : i32
      %mul3A_174 = arith.muli %mul3A_173, %scan3A_83 : i32
      %add3A_175 = vector.broadcast %mul3A_174 : i32 to vector<16xi32>
      %add3A_176 = arith.addi %mul3A_172, %add3A_175 : vector<16xi32>
      %add3A_177 = arith.constant 2 : i32
      %add3A_178 = vector.broadcast %add3A_177 : i32 to vector<16xi32>
      %add3A_179 = arith.addi %add3A_176, %add3A_178 : vector<16xi32>
      %gather3A_180 = tpu.vector_load_idx %arg11[%add3A_179] : memref<1024xi32, #tpu.memory_space<vmem>>[vector<16xi32>], vector<16xi32>,
      %shift_right_arithmetic3A_181 = arith.constant 6 : i32
      %shift_right_arithmetic3A_182 = vector.broadcast %shift_right_arithmetic3A_181 : i32 to vector<16xi32>
      %shift_right_arithmetic3A_183 = arith.shrsi %gather3A_180, %shift_right_arithmetic3A_182 : vector<16xi32>
      %and3A_184 = arith.constant 63 : i32
      %and3A_185 = vector.broadcast %and3A_184 : i32 to vector<16xi32>
      %and3A_186 = arith.andi %gather3A_180, %and3A_185 : vector<16xi32>
      %mul3A_187 = arith.constant 16 : i32
      %mul3A_188 = vector.broadcast %mul3A_187 : i32 to vector<16xi32>
      %mul3A_189 = arith.muli %shift_right_arithmetic3A_183, %mul3A_188 : vector<16xi32>
      %add3A_190 = arith.addi %mul3A_189, %iota3A : vector<16xi32>
      %mul3A_191 = arith.constant 16 : i32
      %mul3A_192 = vector.broadcast %mul3A_191 : i32 to vector<16xi32>
      %mul3A_193 = arith.muli %and3A_186, %mul3A_192 : vector<16xi32>
      %add3A_194 = arith.addi %mul3A_193, %iota3A : vector<16xi32>
      %gather3A_195 = tpu.vector_load_idx %arg14[%add3A_190] : memref<1024xi32, #tpu.memory_space<vmem>>[vector<16xi32>], vector<16xi32>,
      %gather3A_196 = tpu.vector_load_idx %arg14[%add3A_194] : memref<1024xi32, #tpu.memory_space<vmem>>[vector<16xi32>], vector<16xi32>,
      %add3A_197 = arith.constant 1 : i32
      %add3A_198 = vector.broadcast %add3A_197 : i32 to vector<16xi32>
      %add3A_199 = arith.addi %gather3A_195, %add3A_198 : vector<16xi32>
      tpu.vector_store_idx %arg14[%add3A_190], %add3A_199 : memref<1024xi32, #tpu.memory_space<vmem>>[vector<16xi32>], vector<16xi32>,
      %add3A_200 = arith.constant 1 : i32
      %add3A_201 = vector.broadcast %add3A_200 : i32 to vector<16xi32>
      %add3A_202 = arith.addi %gather3A_196, %add3A_201 : vector<16xi32>
      tpu.vector_store_idx %arg14[%add3A_194], %add3A_202 : memref<1024xi32, #tpu.memory_space<vmem>>[vector<16xi32>], vector<16xi32>,
      %shift_right_arithmetic3A_203 = arith.constant 7 : i32
      %shift_right_arithmetic3A_204 = vector.broadcast %shift_right_arithmetic3A_203 : i32 to vector<16xi32>
      %shift_right_arithmetic3A_205 = arith.shrsi %add3A_179, %shift_right_arithmetic3A_204 : vector<16xi32>
      %mul3A_206 = arith.constant 256 : i32
      %mul3A_207 = vector.broadcast %mul3A_206 : i32 to vector<16xi32>
      %mul3A_208 = arith.muli %shift_right_arithmetic3A_205, %mul3A_207 : vector<16xi32>
      %and3A_209 = arith.constant 127 : i32
      %and3A_210 = vector.broadcast %and3A_209 : i32 to vector<16xi32>
      %and3A_211 = arith.andi %add3A_179, %and3A_210 : vector<16xi32>
      %add3A_212 = arith.addi %mul3A_208, %and3A_211 : vector<16xi32>
      tpu.vector_store_idx %arg19[%add3A_212], %shift_right_arithmetic3A_183 : memref<2048xi32, #tpu.memory_space<vmem>>[vector<16xi32>], vector<16xi32>,
      %add3A_213 = arith.constant 128 : i32
      %add3A_214 = vector.broadcast %add3A_213 : i32 to vector<16xi32>
      %add3A_215 = arith.addi %add3A_212, %add3A_214 : vector<16xi32>
      tpu.vector_store_idx %arg19[%add3A_215], %and3A_186 : memref<2048xi32, #tpu.memory_space<vmem>>[vector<16xi32>], vector<16xi32>,
      %mul3A_216 = arith.constant 64 : i32
      %mul3A_217 = vector.broadcast %mul3A_216 : i32 to vector<16xi32>
      %mul3A_218 = arith.muli %iota3A, %mul3A_217 : vector<16xi32>
      %mul3A_219 = arith.constant 4 : i32
      %mul3A_220 = arith.muli %mul3A_219, %scan3A_83 : i32
      %add3A_221 = vector.broadcast %mul3A_220 : i32 to vector<16xi32>
      %add3A_222 = arith.addi %mul3A_218, %add3A_221 : vector<16xi32>
      %add3A_223 = arith.constant 3 : i32
      %add3A_224 = vector.broadcast %add3A_223 : i32 to vector<16xi32>
      %add3A_225 = arith.addi %add3A_222, %add3A_224 : vector<16xi32>
      %gather3A_226 = tpu.vector_load_idx %arg11[%add3A_225] : memref<1024xi32, #tpu.memory_space<vmem>>[vector<16xi32>], vector<16xi32>,
      %shift_right_arithmetic3A_227 = arith.constant 6 : i32
      %shift_right_arithmetic3A_228 = vector.broadcast %shift_right_arithmetic3A_227 : i32 to vector<16xi32>
      %shift_right_arithmetic3A_229 = arith.shrsi %gather3A_226, %shift_right_arithmetic3A_228 : vector<16xi32>
      %and3A_230 = arith.constant 63 : i32
      %and3A_231 = vector.broadcast %and3A_230 : i32 to vector<16xi32>
      %and3A_232 = arith.andi %gather3A_226, %and3A_231 : vector<16xi32>
      %mul3A_233 = arith.constant 16 : i32
      %mul3A_234 = vector.broadcast %mul3A_233 : i32 to vector<16xi32>
      %mul3A_235 = arith.muli %shift_right_arithmetic3A_229, %mul3A_234 : vector<16xi32>
      %add3A_236 = arith.addi %mul3A_235, %iota3A : vector<16xi32>
      %mul3A_237 = arith.constant 16 : i32
      %mul3A_238 = vector.broadcast %mul3A_237 : i32 to vector<16xi32>
      %mul3A_239 = arith.muli %and3A_232, %mul3A_238 : vector<16xi32>
      %add3A_240 = arith.addi %mul3A_239, %iota3A : vector<16xi32>
      %gather3A_241 = tpu.vector_load_idx %arg14[%add3A_236] : memref<1024xi32, #tpu.memory_space<vmem>>[vector<16xi32>], vector<16xi32>,
      %gather3A_242 = tpu.vector_load_idx %arg14[%add3A_240] : memref<1024xi32, #tpu.memory_space<vmem>>[vector<16xi32>], vector<16xi32>,
      %add3A_243 = arith.constant 1 : i32
      %add3A_244 = vector.broadcast %add3A_243 : i32 to vector<16xi32>
      %add3A_245 = arith.addi %gather3A_241, %add3A_244 : vector<16xi32>
      tpu.vector_store_idx %arg14[%add3A_236], %add3A_245 : memref<1024xi32, #tpu.memory_space<vmem>>[vector<16xi32>], vector<16xi32>,
      %add3A_246 = arith.constant 1 : i32
      %add3A_247 = vector.broadcast %add3A_246 : i32 to vector<16xi32>
      %add3A_248 = arith.addi %gather3A_242, %add3A_247 : vector<16xi32>
      tpu.vector_store_idx %arg14[%add3A_240], %add3A_248 : memref<1024xi32, #tpu.memory_space<vmem>>[vector<16xi32>], vector<16xi32>,
      %shift_right_arithmetic3A_249 = arith.constant 7 : i32
      %shift_right_arithmetic3A_250 = vector.broadcast %shift_right_arithmetic3A_249 : i32 to vector<16xi32>
      %shift_right_arithmetic3A_251 = arith.shrsi %add3A_225, %shift_right_arithmetic3A_250 : vector<16xi32>
      %mul3A_252 = arith.constant 256 : i32
      %mul3A_253 = vector.broadcast %mul3A_252 : i32 to vector<16xi32>
      %mul3A_254 = arith.muli %shift_right_arithmetic3A_251, %mul3A_253 : vector<16xi32>
      %and3A_255 = arith.constant 127 : i32
      %and3A_256 = vector.broadcast %and3A_255 : i32 to vector<16xi32>
      %and3A_257 = arith.andi %add3A_225, %and3A_256 : vector<16xi32>
      %add3A_258 = arith.addi %mul3A_254, %and3A_257 : vector<16xi32>
      tpu.vector_store_idx %arg19[%add3A_258], %shift_right_arithmetic3A_229 : memref<2048xi32, #tpu.memory_space<vmem>>[vector<16xi32>], vector<16xi32>,
      %add3A_259 = arith.constant 128 : i32
      %add3A_260 = vector.broadcast %add3A_259 : i32 to vector<16xi32>
      %add3A_261 = arith.addi %add3A_258, %add3A_260 : vector<16xi32>
      tpu.vector_store_idx %arg19[%add3A_261], %and3A_232 : memref<2048xi32, #tpu.memory_space<vmem>>[vector<16xi32>], vector<16xi32>,
      %scan3A_262 = arith.constant 0 : i32
      scf.yield %scan3A_262 : i32
    }
    %scan3A_16 = arith.constant 16 : i32
    %mul3A_17 = arith.constant 2 : i32
    %mul3A_18 = arith.muli %arg1, %mul3A_17 : i32
    %mul3A_19 = arith.constant 1024 : i32
    %mul3A_20 = arith.muli %mul3A_18, %mul3A_19 : i32
    %dma_start3A_21 = tpu.memref_slice %arg7[%mul3A_20] : memref<32768xi32, #tpu.memory_space<hbm>> -> memref<2048xi32, #tpu.memory_space<hbm>>
    %dma_start3A_22 = tpu.memref_slice %arg7[%mul3A_20] : memref<32768xi32, #tpu.memory_space<hbm>> -> memref<2048xi32, #tpu.memory_space<hbm>>
    tpu.enqueue_dma source(%arg19 : memref<2048xi32, #tpu.memory_space<vmem>>) target(%dma_start3A_22 : memref<2048xi32, #tpu.memory_space<hbm>>) target_semaphore(%arg26 : memref<!tpu.dma_semaphore, #tpu.memory_space<semaphore_mem>>)
    %parallel_loop3A_23 = arith.constant 0 : i32
    %parallel_loop3A_24 = arith.constant 64 : i32
    %parallel_loop3A_25 = arith.constant 1 : i32
    scf.for %parallel_loop3A_83 = %parallel_loop3A_23 to %parallel_loop3A_24 step %parallel_loop3A_25  : i32 {
      %parallel_loop3A_84 = arith.constant 16 : i32
      %parallel_loop3A_85 = arith.muli %parallel_loop3A_83, %parallel_loop3A_84 : i32
      %parallel_loop3A_86 = vector.broadcast %parallel_loop3A_85 : i32 to vector<16xi32>
      %parallel_loop3A_87 = arith.addi %parallel_loop3A_86, %iota3A : vector<16xi32>
      %parallel_loop3A_88 = tpu.vector_load_idx %arg14[%parallel_loop3A_87] : memref<1024xi32, #tpu.memory_space<vmem>>[vector<16xi32>], vector<16xi32>,
      %parallel_loop3A_89 = arith.constant true
      %parallel_loop3A_90 = vector.broadcast %parallel_loop3A_89 : i1 to vector<16xi1>
      %parallel_loop3A_91 = tpu.scan <sum>, %parallel_loop3A_88 masked %parallel_loop3A_90 : vector<16xi32>, vector<16xi1> -> vector<16xi32>
      %parallel_loop3A_92 = arith.constant 16 : i32
      %parallel_loop3A_93 = arith.muli %parallel_loop3A_83, %parallel_loop3A_92 : i32
      %parallel_loop3A_94 = vector.broadcast %parallel_loop3A_93 : i32 to vector<16xi32>
      %parallel_loop3A_95 = arith.addi %parallel_loop3A_94, %iota3A : vector<16xi32>
      %parallel_loop3A_96 = arith.subi %parallel_loop3A_91, %parallel_loop3A_88 : vector<16xi32>
      tpu.vector_store_idx %arg14[%parallel_loop3A_95], %parallel_loop3A_96 : memref<1024xi32, #tpu.memory_space<vmem>>[vector<16xi32>], vector<16xi32>,
      %parallel_loop3A_97 = arith.constant 16 : i32
      %parallel_loop3A_98 = arith.muli %parallel_loop3A_83, %parallel_loop3A_97 : i32
      %parallel_loop3A_99 = vector.broadcast %parallel_loop3A_98 : i32 to vector<16xi32>
      %parallel_loop3A_100 = arith.addi %parallel_loop3A_99, %iota3A : vector<16xi32>
      tpu.vector_store_idx %arg15[%parallel_loop3A_100], %parallel_loop3A_91 : memref<1024xi32, #tpu.memory_space<vmem>>[vector<16xi32>], vector<16xi32>,
    } {sc.loop_unroll_factor = 2 : i64, sc.parallel_access}
    %parallel_loop3A_26 = arith.constant 0 : i32
    %parallel_loop3A_27 = arith.constant 4 : i32
    %parallel_loop3A_28 = arith.constant 1 : i32
    scf.for %parallel_loop3A_83 = %parallel_loop3A_26 to %parallel_loop3A_27 step %parallel_loop3A_28  : i32 {
      %parallel_loop3A_84 = arith.constant 16 : i32
      %parallel_loop3A_85 = arith.muli %parallel_loop3A_83, %parallel_loop3A_84 : i32
      %parallel_loop3A_86 = vector.broadcast %parallel_loop3A_85 : i32 to vector<16xi32>
      %parallel_loop3A_87 = arith.addi %parallel_loop3A_86, %iota3A : vector<16xi32>
      %parallel_loop3A_88 = arith.constant 16 : i32
      %parallel_loop3A_89 = vector.broadcast %parallel_loop3A_88 : i32 to vector<16xi32>
      %parallel_loop3A_90 = arith.muli %parallel_loop3A_87, %parallel_loop3A_89 : vector<16xi32>
      %parallel_loop3A_91 = arith.constant 15 : i32
      %parallel_loop3A_92 = vector.broadcast %parallel_loop3A_91 : i32 to vector<16xi32>
      %parallel_loop3A_93 = arith.addi %parallel_loop3A_90, %parallel_loop3A_92 : vector<16xi32>
      %parallel_loop3A_94 = tpu.vector_load_idx %arg15[%parallel_loop3A_93] : memref<1024xi32, #tpu.memory_space<vmem>>[vector<16xi32>], vector<16xi32>,
      tpu.vector_store_idx %arg16[%parallel_loop3A_87], %parallel_loop3A_94 : memref<64xi32, #tpu.memory_space<vmem>>[vector<16xi32>], vector<16xi32>,
    } {sc.loop_unroll_factor = 1 : i64, sc.parallel_access}
    %mul3A_29 = arith.constant 64 : i32
    %mul3A_30 = arith.muli %arg1, %mul3A_29 : i32
    "tpu.region"() ({
      %run_scoped3A = tpu.sem_alloc : memref<!tpu.dma_semaphore, #tpu.memory_space<semaphore_mem>>
      %dma_start3A_83 = tpu.memref_slice %arg24[%mul3A_30] : memref<1024xi32, #tpu.memory_space<vmem_shared>> -> memref<64xi32, #tpu.memory_space<vmem_shared>>
      %dma_start3A_84 = tpu.memref_slice %arg24[%mul3A_30] : memref<1024xi32, #tpu.memory_space<vmem_shared>> -> memref<64xi32, #tpu.memory_space<vmem_shared>>
      tpu.enqueue_dma source(%arg16 : memref<64xi32, #tpu.memory_space<vmem>>) target(%dma_start3A_84 : memref<64xi32, #tpu.memory_space<vmem_shared>>) target_semaphore(%run_scoped3A : memref<!tpu.dma_semaphore, #tpu.memory_space<semaphore_mem>>)
      %dma_wait3A_85 = tpu.memref_slice %arg24[%mul3A_30] : memref<1024xi32, #tpu.memory_space<vmem_shared>> -> memref<64xi32, #tpu.memory_space<vmem_shared>>
      %dma_wait3A_86 = tpu.memref_slice %arg24[%mul3A_30] : memref<1024xi32, #tpu.memory_space<vmem_shared>> -> memref<64xi32, #tpu.memory_space<vmem_shared>>
      tpu.wait_dma2 semaphore(%run_scoped3A : memref<!tpu.dma_semaphore, #tpu.memory_space<semaphore_mem>>) src(%arg16 : memref<64xi32, #tpu.memory_space<vmem>>) dst(%dma_wait3A_86 : memref<64xi32, #tpu.memory_space<vmem_shared>>)
      tpu.yield
    }) : () -> ()
    %barrier3A = arith.constant 0 : index
    tpu.barrier barrier_id(%barrier3A)
    "tpu.region"() ({
      %run_scoped3A = tpu.sem_alloc : memref<!tpu.dma_semaphore, #tpu.memory_space<semaphore_mem>>
      tpu.enqueue_dma source(%arg24 : memref<1024xi32, #tpu.memory_space<vmem_shared>>) target(%arg18 : memref<1024xi32, #tpu.memory_space<vmem>>) target_semaphore(%run_scoped3A : memref<!tpu.dma_semaphore, #tpu.memory_space<semaphore_mem>>)
      tpu.wait_dma2 semaphore(%run_scoped3A : memref<!tpu.dma_semaphore, #tpu.memory_space<semaphore_mem>>) src(%arg24 : memref<1024xi32, #tpu.memory_space<vmem_shared>>) dst(%arg18 : memref<1024xi32, #tpu.memory_space<vmem>>)
      tpu.yield
    }) : () -> ()
    %scan3A_31 = arith.constant 0 : i32
    %scan3A_32 = arith.constant 0 : i32
    %scan3A_33 = arith.constant 4 : i32
    %scan3A_34 = arith.addi %scan3A_32, %scan3A_33 : i32
    %scan3A_35 = arith.constant 1 : i32
    %scan3A_36 = scf.for %scan3A_83 = %scan3A_32 to %scan3A_34 step %scan3A_35 iter_args(%scan3A_84 = %scan3A_31) -> (i32)  : i32 {
      %mul3A_85 = arith.constant 16 : i32
      %mul3A_86 = arith.muli %scan3A_83, %mul3A_85 : i32
      %add3A = vector.broadcast %mul3A_86 : i32 to vector<16xi32>
      %add3A_87 = arith.addi %add3A, %iota3A : vector<16xi32>
      tpu.vector_store_idx %arg17[%add3A_87], %broadcast_in_dim3A_2 : memref<64xi32, #tpu.memory_space<vmem>>[vector<16xi32>], vector<16xi32>,
      %scan3A_88 = arith.constant 0 : i32
      scf.yield %scan3A_88 : i32
    }
    %scan3A_37 = arith.constant 4 : i32
    %while3A = arith.constant 0 : i32
    %while3A_38 = arith.constant 0 : i32
    %while3A_39 = arith.subi %arg1, %while3A : i32
    %while3A_40 = arith.addi %while3A, %while3A_39 : i32
    %while3A_41 = arith.constant 1 : i32
    %while3A_42 = arith.divsi %while3A_39, %while3A_41 : i32
    %while3A_43 = arith.muli %while3A_42, %while3A_41 : i32
    %while3A_44 = arith.addi %while3A, %while3A_43 : i32
    %while3A_45 = arith.constant 1 : i32
    %while3A_46 = scf.for %while3A_83 = %while3A to %while3A_44 step %while3A_45 iter_args(%while3A_84 = %while3A_38) -> (i32)  : i32 {
      %scan3A_85 = arith.constant 0 : i32
      %scan3A_86 = arith.constant 0 : i32
      %scan3A_87 = arith.constant 4 : i32
      %scan3A_88 = arith.addi %scan3A_86, %scan3A_87 : i32
      %scan3A_89 = arith.constant 1 : i32
      %scan3A_90 = scf.for %scan3A_93 = %scan3A_86 to %scan3A_88 step %scan3A_89 iter_args(%scan3A_94 = %scan3A_85) -> (i32)  : i32 {
        %mul3A_95 = arith.constant 16 : i32
        %mul3A_96 = arith.muli %scan3A_93, %mul3A_95 : i32
        %add3A = vector.broadcast %mul3A_96 : i32 to vector<16xi32>
        %add3A_97 = arith.addi %add3A, %iota3A : vector<16xi32>
        %mul3A_98 = arith.constant 64 : i32
        %mul3A_99 = arith.muli %while3A_83, %mul3A_98 : i32
        %add3A_100 = vector.broadcast %mul3A_99 : i32 to vector<16xi32>
        %add3A_101 = arith.addi %add3A_100, %add3A_97 : vector<16xi32>
        %gather3A = tpu.vector_load_idx %arg18[%add3A_101] : memref<1024xi32, #tpu.memory_space<vmem>>[vector<16xi32>], vector<16xi32>,
        %gather3A_102 = tpu.vector_load_idx %arg17[%add3A_97] : memref<64xi32, #tpu.memory_space<vmem>>[vector<16xi32>], vector<16xi32>,
        %add3A_103 = arith.addi %gather3A_102, %gather3A : vector<16xi32>
        tpu.vector_store_idx %arg17[%add3A_97], %add3A_103 : memref<64xi32, #tpu.memory_space<vmem>>[vector<16xi32>], vector<16xi32>,
        %scan3A_104 = arith.constant 0 : i32
        scf.yield %scan3A_104 : i32
      }
      %scan3A_91 = arith.constant 4 : i32
      %while3A_92 = arith.constant 0 : i32
      scf.yield %while3A_92 : i32
    }
    %while3A_47 = arith.constant 1 : i32
    %while3A_48 = scf.for %while3A_83 = %while3A_44 to %while3A_40 step %while3A_47 iter_args(%while3A_84 = %while3A_46) -> (i32)  : i32 {
      %scan3A_85 = arith.constant 0 : i32
      %scan3A_86 = arith.constant 0 : i32
      %scan3A_87 = arith.constant 4 : i32
      %scan3A_88 = arith.addi %scan3A_86, %scan3A_87 : i32
      %scan3A_89 = arith.constant 1 : i32
      %scan3A_90 = scf.for %scan3A_93 = %scan3A_86 to %scan3A_88 step %scan3A_89 iter_args(%scan3A_94 = %scan3A_85) -> (i32)  : i32 {
        %mul3A_95 = arith.constant 16 : i32
        %mul3A_96 = arith.muli %scan3A_93, %mul3A_95 : i32
        %add3A = vector.broadcast %mul3A_96 : i32 to vector<16xi32>
        %add3A_97 = arith.addi %add3A, %iota3A : vector<16xi32>
        %mul3A_98 = arith.constant 64 : i32
        %mul3A_99 = arith.muli %while3A_83, %mul3A_98 : i32
        %add3A_100 = vector.broadcast %mul3A_99 : i32 to vector<16xi32>
        %add3A_101 = arith.addi %add3A_100, %add3A_97 : vector<16xi32>
        %gather3A = tpu.vector_load_idx %arg18[%add3A_101] : memref<1024xi32, #tpu.memory_space<vmem>>[vector<16xi32>], vector<16xi32>,
        %gather3A_102 = tpu.vector_load_idx %arg17[%add3A_97] : memref<64xi32, #tpu.memory_space<vmem>>[vector<16xi32>], vector<16xi32>,
        %add3A_103 = arith.addi %gather3A_102, %gather3A : vector<16xi32>
        tpu.vector_store_idx %arg17[%add3A_97], %add3A_103 : memref<64xi32, #tpu.memory_space<vmem>>[vector<16xi32>], vector<16xi32>,
        %scan3A_104 = arith.constant 0 : i32
        scf.yield %scan3A_104 : i32
      }
      %scan3A_91 = arith.constant 4 : i32
      %while3A_92 = arith.constant 0 : i32
      scf.yield %while3A_92 : i32
    }
    %parallel_loop3A_49 = arith.constant 0 : i32
    %parallel_loop3A_50 = arith.constant 64 : i32
    %parallel_loop3A_51 = arith.constant 1 : i32
    scf.for %parallel_loop3A_83 = %parallel_loop3A_49 to %parallel_loop3A_50 step %parallel_loop3A_51  : i32 {
      %parallel_loop3A_84 = vector.broadcast %parallel_loop3A_83 : i32 to vector<16xi32>
      %parallel_loop3A_85 = arith.addi %broadcast_in_dim3A_2, %parallel_loop3A_84 : vector<16xi32>
      %parallel_loop3A_86 = tpu.vector_load_idx %arg17[%parallel_loop3A_85] : memref<64xi32, #tpu.memory_space<vmem>>[vector<16xi32>], vector<16xi32>,
      %parallel_loop3A_87 = arith.constant 16 : i32
      %parallel_loop3A_88 = arith.muli %parallel_loop3A_83, %parallel_loop3A_87 : i32
      %parallel_loop3A_89 = vector.broadcast %parallel_loop3A_88 : i32 to vector<16xi32>
      %parallel_loop3A_90 = arith.addi %parallel_loop3A_89, %iota3A : vector<16xi32>
      %parallel_loop3A_91 = tpu.vector_load_idx %arg14[%parallel_loop3A_90] : memref<1024xi32, #tpu.memory_space<vmem>>[vector<16xi32>], vector<16xi32>,
      %parallel_loop3A_92 = arith.constant 16 : i32
      %parallel_loop3A_93 = arith.muli %parallel_loop3A_83, %parallel_loop3A_92 : i32
      %parallel_loop3A_94 = vector.broadcast %parallel_loop3A_93 : i32 to vector<16xi32>
      %parallel_loop3A_95 = arith.addi %parallel_loop3A_94, %iota3A : vector<16xi32>
      %parallel_loop3A_96 = arith.addi %parallel_loop3A_91, %parallel_loop3A_86 : vector<16xi32>
      tpu.vector_store_idx %arg14[%parallel_loop3A_95], %parallel_loop3A_96 : memref<1024xi32, #tpu.memory_space<vmem>>[vector<16xi32>], vector<16xi32>,
    } {sc.loop_unroll_factor = 2 : i64, sc.parallel_access}
    %dma_wait3A_52 = tpu.memref_slice %arg3[%mul3A_1] : memref<16384xf32, #tpu.memory_space<hbm>> -> memref<1024xf32, #tpu.memory_space<hbm>>
    %dma_wait3A_53 = tpu.memref_slice %arg3[%mul3A_1] : memref<16384xf32, #tpu.memory_space<hbm>> -> memref<1024xf32, #tpu.memory_space<hbm>>
    tpu.wait_dma2 semaphore(%arg25 : memref<!tpu.dma_semaphore, #tpu.memory_space<semaphore_mem>>) src(%dma_wait3A_53 : memref<1024xf32, #tpu.memory_space<hbm>>) dst(%arg12 : memref<1024xf32, #tpu.memory_space<vmem>>)
    %dma_wait3A_54 = tpu.memref_slice %arg4[%mul3A_1] : memref<16384xf32, #tpu.memory_space<hbm>> -> memref<1024xf32, #tpu.memory_space<hbm>>
    %dma_wait3A_55 = tpu.memref_slice %arg4[%mul3A_1] : memref<16384xf32, #tpu.memory_space<hbm>> -> memref<1024xf32, #tpu.memory_space<hbm>>
    tpu.wait_dma2 semaphore(%arg25 : memref<!tpu.dma_semaphore, #tpu.memory_space<semaphore_mem>>) src(%dma_wait3A_55 : memref<1024xf32, #tpu.memory_space<hbm>>) dst(%arg13 : memref<1024xf32, #tpu.memory_space<vmem>>)
    %broadcast_in_dim3A_56 = arith.constant 1.000000e+00 : f32
    %broadcast_in_dim3A_57 = vector.broadcast %broadcast_in_dim3A_56 : f32 to vector<16xf32>
    %broadcast_in_dim3A_58 = arith.constant 0.000000e+00 : f32
    %broadcast_in_dim3A_59 = vector.broadcast %broadcast_in_dim3A_58 : f32 to vector<16xf32>
    %scan3A_60 = arith.constant 0 : i32
    %scan3A_61 = arith.constant 0 : i32
    %scan3A_62 = arith.constant 16 : i32
    %scan3A_63 = arith.addi %scan3A_61, %scan3A_62 : i32
    %scan3A_64 = arith.constant 1 : i32
    %scan3A_65 = scf.for %scan3A_83 = %scan3A_61 to %scan3A_63 step %scan3A_64 iter_args(%scan3A_84 = %scan3A_60) -> (i32)  : i32 {
      %mul3A_85 = arith.constant 64 : i32
      %mul3A_86 = vector.broadcast %mul3A_85 : i32 to vector<16xi32>
      %mul3A_87 = arith.muli %iota3A, %mul3A_86 : vector<16xi32>
      %mul3A_88 = arith.constant 4 : i32
      %mul3A_89 = arith.muli %mul3A_88, %scan3A_83 : i32
      %add3A = vector.broadcast %mul3A_89 : i32 to vector<16xi32>
      %add3A_90 = arith.addi %mul3A_87, %add3A : vector<16xi32>
      %gather3A = tpu.vector_load_idx %arg11[%add3A_90] : memref<1024xi32, #tpu.memory_space<vmem>>[vector<16xi32>], vector<16xi32>,
      %shift_right_arithmetic3A = arith.constant 6 : i32
      %shift_right_arithmetic3A_91 = vector.broadcast %shift_right_arithmetic3A : i32 to vector<16xi32>
      %shift_right_arithmetic3A_92 = arith.shrsi %gather3A, %shift_right_arithmetic3A_91 : vector<16xi32>
      %and3A = arith.constant 63 : i32
      %and3A_93 = vector.broadcast %and3A : i32 to vector<16xi32>
      %and3A_94 = arith.andi %gather3A, %and3A_93 : vector<16xi32>
      %mul3A_95 = arith.constant 16 : i32
      %mul3A_96 = vector.broadcast %mul3A_95 : i32 to vector<16xi32>
      %mul3A_97 = arith.muli %shift_right_arithmetic3A_92, %mul3A_96 : vector<16xi32>
      %add3A_98 = arith.addi %mul3A_97, %iota3A : vector<16xi32>
      %mul3A_99 = arith.constant 16 : i32
      %mul3A_100 = vector.broadcast %mul3A_99 : i32 to vector<16xi32>
      %mul3A_101 = arith.muli %and3A_94, %mul3A_100 : vector<16xi32>
      %add3A_102 = arith.addi %mul3A_101, %iota3A : vector<16xi32>
      %gather3A_103 = tpu.vector_load_idx %arg14[%add3A_98] : memref<1024xi32, #tpu.memory_space<vmem>>[vector<16xi32>], vector<16xi32>,
      %gather3A_104 = tpu.vector_load_idx %arg14[%add3A_102] : memref<1024xi32, #tpu.memory_space<vmem>>[vector<16xi32>], vector<16xi32>,
      %add3A_105 = arith.constant 1 : i32
      %add3A_106 = vector.broadcast %add3A_105 : i32 to vector<16xi32>
      %add3A_107 = arith.addi %gather3A_103, %add3A_106 : vector<16xi32>
      tpu.vector_store_idx %arg14[%add3A_98], %add3A_107 : memref<1024xi32, #tpu.memory_space<vmem>>[vector<16xi32>], vector<16xi32>,
      %add3A_108 = arith.constant 1 : i32
      %add3A_109 = vector.broadcast %add3A_108 : i32 to vector<16xi32>
      %add3A_110 = arith.addi %gather3A_104, %add3A_109 : vector<16xi32>
      tpu.vector_store_idx %arg14[%add3A_102], %add3A_110 : memref<1024xi32, #tpu.memory_space<vmem>>[vector<16xi32>], vector<16xi32>,
      %lt3A = arith.constant 320 : i32
      %lt3A_111 = vector.broadcast %lt3A : i32 to vector<16xi32>
      %lt3A_112 = arith.cmpi slt, %gather3A_103, %lt3A_111 : vector<16xi32>
      %select_n3A = arith.select %lt3A_112, %broadcast_in_dim3A_57, %broadcast_in_dim3A_59 : vector<16xi1>, vector<16xf32>
      %lt3A_113 = arith.constant 320 : i32
      %lt3A_114 = vector.broadcast %lt3A_113 : i32 to vector<16xi32>
      %lt3A_115 = arith.cmpi slt, %gather3A_104, %lt3A_114 : vector<16xi32>
      %select_n3A_116 = arith.select %lt3A_115, %broadcast_in_dim3A_57, %broadcast_in_dim3A_59 : vector<16xi1>, vector<16xf32>
      %shift_right_arithmetic3A_117 = arith.constant 7 : i32
      %shift_right_arithmetic3A_118 = vector.broadcast %shift_right_arithmetic3A_117 : i32 to vector<16xi32>
      %shift_right_arithmetic3A_119 = arith.shrsi %add3A_90, %shift_right_arithmetic3A_118 : vector<16xi32>
      %mul3A_120 = arith.constant 256 : i32
      %mul3A_121 = vector.broadcast %mul3A_120 : i32 to vector<16xi32>
      %mul3A_122 = arith.muli %shift_right_arithmetic3A_119, %mul3A_121 : vector<16xi32>
      %and3A_123 = arith.constant 127 : i32
      %and3A_124 = vector.broadcast %and3A_123 : i32 to vector<16xi32>
      %and3A_125 = arith.andi %add3A_90, %and3A_124 : vector<16xi32>
      %add3A_126 = arith.addi %mul3A_122, %and3A_125 : vector<16xi32>
      tpu.vector_store_idx %arg21[%add3A_126], %select_n3A : memref<2048xf32, #tpu.memory_space<vmem>>[vector<16xi32>], vector<16xf32>,
      %add3A_127 = arith.constant 128 : i32
      %add3A_128 = vector.broadcast %add3A_127 : i32 to vector<16xi32>
      %add3A_129 = arith.addi %add3A_126, %add3A_128 : vector<16xi32>
      tpu.vector_store_idx %arg21[%add3A_129], %select_n3A_116 : memref<2048xf32, #tpu.memory_space<vmem>>[vector<16xi32>], vector<16xf32>,
      %gather3A_130 = tpu.vector_load_idx %arg12[%add3A_90] : memref<1024xf32, #tpu.memory_space<vmem>>[vector<16xi32>], vector<16xf32>,
      %gather3A_131 = tpu.vector_load_idx %arg13[%add3A_90] : memref<1024xf32, #tpu.memory_space<vmem>>[vector<16xi32>], vector<16xf32>,
      %mul3A_132 = arith.mulf %gather3A_130, %select_n3A : vector<16xf32>
      %mul3A_133 = arith.mulf %gather3A_131, %select_n3A_116 : vector<16xf32>
      %add3A_134 = arith.addf %mul3A_132, %mul3A_133 : vector<16xf32>
      %max3A = arith.constant 9.99999993E-9 : f32
      %max3A_135 = vector.broadcast %max3A : f32 to vector<16xf32>
      %max3A_136 = arith.maximumf %add3A_134, %max3A_135 : vector<16xf32>
      %div3A = arith.divf %mul3A_132, %max3A_136 : vector<16xf32>
      tpu.vector_store_idx %arg20[%add3A_126], %div3A : memref<2048xf32, #tpu.memory_space<vmem>>[vector<16xi32>], vector<16xf32>,
      %add3A_137 = arith.constant 128 : i32
      %add3A_138 = vector.broadcast %add3A_137 : i32 to vector<16xi32>
      %add3A_139 = arith.addi %add3A_126, %add3A_138 : vector<16xi32>
      %div3A_140 = arith.divf %mul3A_133, %max3A_136 : vector<16xf32>
      tpu.vector_store_idx %arg20[%add3A_139], %div3A_140 : memref<2048xf32, #tpu.memory_space<vmem>>[vector<16xi32>], vector<16xf32>,
      %mul3A_141 = arith.constant 64 : i32
      %mul3A_142 = vector.broadcast %mul3A_141 : i32 to vector<16xi32>
      %mul3A_143 = arith.muli %iota3A, %mul3A_142 : vector<16xi32>
      %mul3A_144 = arith.constant 4 : i32
      %mul3A_145 = arith.muli %mul3A_144, %scan3A_83 : i32
      %add3A_146 = vector.broadcast %mul3A_145 : i32 to vector<16xi32>
      %add3A_147 = arith.addi %mul3A_143, %add3A_146 : vector<16xi32>
      %add3A_148 = arith.constant 1 : i32
      %add3A_149 = vector.broadcast %add3A_148 : i32 to vector<16xi32>
      %add3A_150 = arith.addi %add3A_147, %add3A_149 : vector<16xi32>
      %gather3A_151 = tpu.vector_load_idx %arg11[%add3A_150] : memref<1024xi32, #tpu.memory_space<vmem>>[vector<16xi32>], vector<16xi32>,
      %shift_right_arithmetic3A_152 = arith.constant 6 : i32
      %shift_right_arithmetic3A_153 = vector.broadcast %shift_right_arithmetic3A_152 : i32 to vector<16xi32>
      %shift_right_arithmetic3A_154 = arith.shrsi %gather3A_151, %shift_right_arithmetic3A_153 : vector<16xi32>
      %and3A_155 = arith.constant 63 : i32
      %and3A_156 = vector.broadcast %and3A_155 : i32 to vector<16xi32>
      %and3A_157 = arith.andi %gather3A_151, %and3A_156 : vector<16xi32>
      %mul3A_158 = arith.constant 16 : i32
      %mul3A_159 = vector.broadcast %mul3A_158 : i32 to vector<16xi32>
      %mul3A_160 = arith.muli %shift_right_arithmetic3A_154, %mul3A_159 : vector<16xi32>
      %add3A_161 = arith.addi %mul3A_160, %iota3A : vector<16xi32>
      %mul3A_162 = arith.constant 16 : i32
      %mul3A_163 = vector.broadcast %mul3A_162 : i32 to vector<16xi32>
      %mul3A_164 = arith.muli %and3A_157, %mul3A_163 : vector<16xi32>
      %add3A_165 = arith.addi %mul3A_164, %iota3A : vector<16xi32>
      %gather3A_166 = tpu.vector_load_idx %arg14[%add3A_161] : memref<1024xi32, #tpu.memory_space<vmem>>[vector<16xi32>], vector<16xi32>,
      %gather3A_167 = tpu.vector_load_idx %arg14[%add3A_165] : memref<1024xi32, #tpu.memory_space<vmem>>[vector<16xi32>], vector<16xi32>,
      %add3A_168 = arith.constant 1 : i32
      %add3A_169 = vector.broadcast %add3A_168 : i32 to vector<16xi32>
      %add3A_170 = arith.addi %gather3A_166, %add3A_169 : vector<16xi32>
      tpu.vector_store_idx %arg14[%add3A_161], %add3A_170 : memref<1024xi32, #tpu.memory_space<vmem>>[vector<16xi32>], vector<16xi32>,
      %add3A_171 = arith.constant 1 : i32
      %add3A_172 = vector.broadcast %add3A_171 : i32 to vector<16xi32>
      %add3A_173 = arith.addi %gather3A_167, %add3A_172 : vector<16xi32>
      tpu.vector_store_idx %arg14[%add3A_165], %add3A_173 : memref<1024xi32, #tpu.memory_space<vmem>>[vector<16xi32>], vector<16xi32>,
      %lt3A_174 = arith.constant 320 : i32
      %lt3A_175 = vector.broadcast %lt3A_174 : i32 to vector<16xi32>
      %lt3A_176 = arith.cmpi slt, %gather3A_166, %lt3A_175 : vector<16xi32>
      %select_n3A_177 = arith.select %lt3A_176, %broadcast_in_dim3A_57, %broadcast_in_dim3A_59 : vector<16xi1>, vector<16xf32>
      %lt3A_178 = arith.constant 320 : i32
      %lt3A_179 = vector.broadcast %lt3A_178 : i32 to vector<16xi32>
      %lt3A_180 = arith.cmpi slt, %gather3A_167, %lt3A_179 : vector<16xi32>
      %select_n3A_181 = arith.select %lt3A_180, %broadcast_in_dim3A_57, %broadcast_in_dim3A_59 : vector<16xi1>, vector<16xf32>
      %shift_right_arithmetic3A_182 = arith.constant 7 : i32
      %shift_right_arithmetic3A_183 = vector.broadcast %shift_right_arithmetic3A_182 : i32 to vector<16xi32>
      %shift_right_arithmetic3A_184 = arith.shrsi %add3A_150, %shift_right_arithmetic3A_183 : vector<16xi32>
      %mul3A_185 = arith.constant 256 : i32
      %mul3A_186 = vector.broadcast %mul3A_185 : i32 to vector<16xi32>
      %mul3A_187 = arith.muli %shift_right_arithmetic3A_184, %mul3A_186 : vector<16xi32>
      %and3A_188 = arith.constant 127 : i32
      %and3A_189 = vector.broadcast %and3A_188 : i32 to vector<16xi32>
      %and3A_190 = arith.andi %add3A_150, %and3A_189 : vector<16xi32>
      %add3A_191 = arith.addi %mul3A_187, %and3A_190 : vector<16xi32>
      tpu.vector_store_idx %arg21[%add3A_191], %select_n3A_177 : memref<2048xf32, #tpu.memory_space<vmem>>[vector<16xi32>], vector<16xf32>,
      %add3A_192 = arith.constant 128 : i32
      %add3A_193 = vector.broadcast %add3A_192 : i32 to vector<16xi32>
      %add3A_194 = arith.addi %add3A_191, %add3A_193 : vector<16xi32>
      tpu.vector_store_idx %arg21[%add3A_194], %select_n3A_181 : memref<2048xf32, #tpu.memory_space<vmem>>[vector<16xi32>], vector<16xf32>,
      %gather3A_195 = tpu.vector_load_idx %arg12[%add3A_150] : memref<1024xf32, #tpu.memory_space<vmem>>[vector<16xi32>], vector<16xf32>,
      %gather3A_196 = tpu.vector_load_idx %arg13[%add3A_150] : memref<1024xf32, #tpu.memory_space<vmem>>[vector<16xi32>], vector<16xf32>,
      %mul3A_197 = arith.mulf %gather3A_195, %select_n3A_177 : vector<16xf32>
      %mul3A_198 = arith.mulf %gather3A_196, %select_n3A_181 : vector<16xf32>
      %add3A_199 = arith.addf %mul3A_197, %mul3A_198 : vector<16xf32>
      %max3A_200 = arith.constant 9.99999993E-9 : f32
      %max3A_201 = vector.broadcast %max3A_200 : f32 to vector<16xf32>
      %max3A_202 = arith.maximumf %add3A_199, %max3A_201 : vector<16xf32>
      %div3A_203 = arith.divf %mul3A_197, %max3A_202 : vector<16xf32>
      tpu.vector_store_idx %arg20[%add3A_191], %div3A_203 : memref<2048xf32, #tpu.memory_space<vmem>>[vector<16xi32>], vector<16xf32>,
      %add3A_204 = arith.constant 128 : i32
      %add3A_205 = vector.broadcast %add3A_204 : i32 to vector<16xi32>
      %add3A_206 = arith.addi %add3A_191, %add3A_205 : vector<16xi32>
      %div3A_207 = arith.divf %mul3A_198, %max3A_202 : vector<16xf32>
      tpu.vector_store_idx %arg20[%add3A_206], %div3A_207 : memref<2048xf32, #tpu.memory_space<vmem>>[vector<16xi32>], vector<16xf32>,
      %mul3A_208 = arith.constant 64 : i32
      %mul3A_209 = vector.broadcast %mul3A_208 : i32 to vector<16xi32>
      %mul3A_210 = arith.muli %iota3A, %mul3A_209 : vector<16xi32>
      %mul3A_211 = arith.constant 4 : i32
      %mul3A_212 = arith.muli %mul3A_211, %scan3A_83 : i32
      %add3A_213 = vector.broadcast %mul3A_212 : i32 to vector<16xi32>
      %add3A_214 = arith.addi %mul3A_210, %add3A_213 : vector<16xi32>
      %add3A_215 = arith.constant 2 : i32
      %add3A_216 = vector.broadcast %add3A_215 : i32 to vector<16xi32>
      %add3A_217 = arith.addi %add3A_214, %add3A_216 : vector<16xi32>
      %gather3A_218 = tpu.vector_load_idx %arg11[%add3A_217] : memref<1024xi32, #tpu.memory_space<vmem>>[vector<16xi32>], vector<16xi32>,
      %shift_right_arithmetic3A_219 = arith.constant 6 : i32
      %shift_right_arithmetic3A_220 = vector.broadcast %shift_right_arithmetic3A_219 : i32 to vector<16xi32>
      %shift_right_arithmetic3A_221 = arith.shrsi %gather3A_218, %shift_right_arithmetic3A_220 : vector<16xi32>
      %and3A_222 = arith.constant 63 : i32
      %and3A_223 = vector.broadcast %and3A_222 : i32 to vector<16xi32>
      %and3A_224 = arith.andi %gather3A_218, %and3A_223 : vector<16xi32>
      %mul3A_225 = arith.constant 16 : i32
      %mul3A_226 = vector.broadcast %mul3A_225 : i32 to vector<16xi32>
      %mul3A_227 = arith.muli %shift_right_arithmetic3A_221, %mul3A_226 : vector<16xi32>
      %add3A_228 = arith.addi %mul3A_227, %iota3A : vector<16xi32>
      %mul3A_229 = arith.constant 16 : i32
      %mul3A_230 = vector.broadcast %mul3A_229 : i32 to vector<16xi32>
      %mul3A_231 = arith.muli %and3A_224, %mul3A_230 : vector<16xi32>
      %add3A_232 = arith.addi %mul3A_231, %iota3A : vector<16xi32>
      %gather3A_233 = tpu.vector_load_idx %arg14[%add3A_228] : memref<1024xi32, #tpu.memory_space<vmem>>[vector<16xi32>], vector<16xi32>,
      %gather3A_234 = tpu.vector_load_idx %arg14[%add3A_232] : memref<1024xi32, #tpu.memory_space<vmem>>[vector<16xi32>], vector<16xi32>,
      %add3A_235 = arith.constant 1 : i32
      %add3A_236 = vector.broadcast %add3A_235 : i32 to vector<16xi32>
      %add3A_237 = arith.addi %gather3A_233, %add3A_236 : vector<16xi32>
      tpu.vector_store_idx %arg14[%add3A_228], %add3A_237 : memref<1024xi32, #tpu.memory_space<vmem>>[vector<16xi32>], vector<16xi32>,
      %add3A_238 = arith.constant 1 : i32
      %add3A_239 = vector.broadcast %add3A_238 : i32 to vector<16xi32>
      %add3A_240 = arith.addi %gather3A_234, %add3A_239 : vector<16xi32>
      tpu.vector_store_idx %arg14[%add3A_232], %add3A_240 : memref<1024xi32, #tpu.memory_space<vmem>>[vector<16xi32>], vector<16xi32>,
      %lt3A_241 = arith.constant 320 : i32
      %lt3A_242 = vector.broadcast %lt3A_241 : i32 to vector<16xi32>
      %lt3A_243 = arith.cmpi slt, %gather3A_233, %lt3A_242 : vector<16xi32>
      %select_n3A_244 = arith.select %lt3A_243, %broadcast_in_dim3A_57, %broadcast_in_dim3A_59 : vector<16xi1>, vector<16xf32>
      %lt3A_245 = arith.constant 320 : i32
      %lt3A_246 = vector.broadcast %lt3A_245 : i32 to vector<16xi32>
      %lt3A_247 = arith.cmpi slt, %gather3A_234, %lt3A_246 : vector<16xi32>
      %select_n3A_248 = arith.select %lt3A_247, %broadcast_in_dim3A_57, %broadcast_in_dim3A_59 : vector<16xi1>, vector<16xf32>
      %shift_right_arithmetic3A_249 = arith.constant 7 : i32
      %shift_right_arithmetic3A_250 = vector.broadcast %shift_right_arithmetic3A_249 : i32 to vector<16xi32>
      %shift_right_arithmetic3A_251 = arith.shrsi %add3A_217, %shift_right_arithmetic3A_250 : vector<16xi32>
      %mul3A_252 = arith.constant 256 : i32
      %mul3A_253 = vector.broadcast %mul3A_252 : i32 to vector<16xi32>
      %mul3A_254 = arith.muli %shift_right_arithmetic3A_251, %mul3A_253 : vector<16xi32>
      %and3A_255 = arith.constant 127 : i32
      %and3A_256 = vector.broadcast %and3A_255 : i32 to vector<16xi32>
      %and3A_257 = arith.andi %add3A_217, %and3A_256 : vector<16xi32>
      %add3A_258 = arith.addi %mul3A_254, %and3A_257 : vector<16xi32>
      tpu.vector_store_idx %arg21[%add3A_258], %select_n3A_244 : memref<2048xf32, #tpu.memory_space<vmem>>[vector<16xi32>], vector<16xf32>,
      %add3A_259 = arith.constant 128 : i32
      %add3A_260 = vector.broadcast %add3A_259 : i32 to vector<16xi32>
      %add3A_261 = arith.addi %add3A_258, %add3A_260 : vector<16xi32>
      tpu.vector_store_idx %arg21[%add3A_261], %select_n3A_248 : memref<2048xf32, #tpu.memory_space<vmem>>[vector<16xi32>], vector<16xf32>,
      %gather3A_262 = tpu.vector_load_idx %arg12[%add3A_217] : memref<1024xf32, #tpu.memory_space<vmem>>[vector<16xi32>], vector<16xf32>,
      %gather3A_263 = tpu.vector_load_idx %arg13[%add3A_217] : memref<1024xf32, #tpu.memory_space<vmem>>[vector<16xi32>], vector<16xf32>,
      %mul3A_264 = arith.mulf %gather3A_262, %select_n3A_244 : vector<16xf32>
      %mul3A_265 = arith.mulf %gather3A_263, %select_n3A_248 : vector<16xf32>
      %add3A_266 = arith.addf %mul3A_264, %mul3A_265 : vector<16xf32>
      %max3A_267 = arith.constant 9.99999993E-9 : f32
      %max3A_268 = vector.broadcast %max3A_267 : f32 to vector<16xf32>
      %max3A_269 = arith.maximumf %add3A_266, %max3A_268 : vector<16xf32>
      %div3A_270 = arith.divf %mul3A_264, %max3A_269 : vector<16xf32>
      tpu.vector_store_idx %arg20[%add3A_258], %div3A_270 : memref<2048xf32, #tpu.memory_space<vmem>>[vector<16xi32>], vector<16xf32>,
      %add3A_271 = arith.constant 128 : i32
      %add3A_272 = vector.broadcast %add3A_271 : i32 to vector<16xi32>
      %add3A_273 = arith.addi %add3A_258, %add3A_272 : vector<16xi32>
      %div3A_274 = arith.divf %mul3A_265, %max3A_269 : vector<16xf32>
      tpu.vector_store_idx %arg20[%add3A_273], %div3A_274 : memref<2048xf32, #tpu.memory_space<vmem>>[vector<16xi32>], vector<16xf32>,
      %mul3A_275 = arith.constant 64 : i32
      %mul3A_276 = vector.broadcast %mul3A_275 : i32 to vector<16xi32>
      %mul3A_277 = arith.muli %iota3A, %mul3A_276 : vector<16xi32>
      %mul3A_278 = arith.constant 4 : i32
      %mul3A_279 = arith.muli %mul3A_278, %scan3A_83 : i32
      %add3A_280 = vector.broadcast %mul3A_279 : i32 to vector<16xi32>
      %add3A_281 = arith.addi %mul3A_277, %add3A_280 : vector<16xi32>
      %add3A_282 = arith.constant 3 : i32
      %add3A_283 = vector.broadcast %add3A_282 : i32 to vector<16xi32>
      %add3A_284 = arith.addi %add3A_281, %add3A_283 : vector<16xi32>
      %gather3A_285 = tpu.vector_load_idx %arg11[%add3A_284] : memref<1024xi32, #tpu.memory_space<vmem>>[vector<16xi32>], vector<16xi32>,
      %shift_right_arithmetic3A_286 = arith.constant 6 : i32
      %shift_right_arithmetic3A_287 = vector.broadcast %shift_right_arithmetic3A_286 : i32 to vector<16xi32>
      %shift_right_arithmetic3A_288 = arith.shrsi %gather3A_285, %shift_right_arithmetic3A_287 : vector<16xi32>
      %and3A_289 = arith.constant 63 : i32
      %and3A_290 = vector.broadcast %and3A_289 : i32 to vector<16xi32>
      %and3A_291 = arith.andi %gather3A_285, %and3A_290 : vector<16xi32>
      %mul3A_292 = arith.constant 16 : i32
      %mul3A_293 = vector.broadcast %mul3A_292 : i32 to vector<16xi32>
      %mul3A_294 = arith.muli %shift_right_arithmetic3A_288, %mul3A_293 : vector<16xi32>
      %add3A_295 = arith.addi %mul3A_294, %iota3A : vector<16xi32>
      %mul3A_296 = arith.constant 16 : i32
      %mul3A_297 = vector.broadcast %mul3A_296 : i32 to vector<16xi32>
      %mul3A_298 = arith.muli %and3A_291, %mul3A_297 : vector<16xi32>
      %add3A_299 = arith.addi %mul3A_298, %iota3A : vector<16xi32>
      %gather3A_300 = tpu.vector_load_idx %arg14[%add3A_295] : memref<1024xi32, #tpu.memory_space<vmem>>[vector<16xi32>], vector<16xi32>,
      %gather3A_301 = tpu.vector_load_idx %arg14[%add3A_299] : memref<1024xi32, #tpu.memory_space<vmem>>[vector<16xi32>], vector<16xi32>,
      %add3A_302 = arith.constant 1 : i32
      %add3A_303 = vector.broadcast %add3A_302 : i32 to vector<16xi32>
      %add3A_304 = arith.addi %gather3A_300, %add3A_303 : vector<16xi32>
      tpu.vector_store_idx %arg14[%add3A_295], %add3A_304 : memref<1024xi32, #tpu.memory_space<vmem>>[vector<16xi32>], vector<16xi32>,
      %add3A_305 = arith.constant 1 : i32
      %add3A_306 = vector.broadcast %add3A_305 : i32 to vector<16xi32>
      %add3A_307 = arith.addi %gather3A_301, %add3A_306 : vector<16xi32>
      tpu.vector_store_idx %arg14[%add3A_299], %add3A_307 : memref<1024xi32, #tpu.memory_space<vmem>>[vector<16xi32>], vector<16xi32>,
      %lt3A_308 = arith.constant 320 : i32
      %lt3A_309 = vector.broadcast %lt3A_308 : i32 to vector<16xi32>
      %lt3A_310 = arith.cmpi slt, %gather3A_300, %lt3A_309 : vector<16xi32>
      %select_n3A_311 = arith.select %lt3A_310, %broadcast_in_dim3A_57, %broadcast_in_dim3A_59 : vector<16xi1>, vector<16xf32>
      %lt3A_312 = arith.constant 320 : i32
      %lt3A_313 = vector.broadcast %lt3A_312 : i32 to vector<16xi32>
      %lt3A_314 = arith.cmpi slt, %gather3A_301, %lt3A_313 : vector<16xi32>
      %select_n3A_315 = arith.select %lt3A_314, %broadcast_in_dim3A_57, %broadcast_in_dim3A_59 : vector<16xi1>, vector<16xf32>
      %shift_right_arithmetic3A_316 = arith.constant 7 : i32
      %shift_right_arithmetic3A_317 = vector.broadcast %shift_right_arithmetic3A_316 : i32 to vector<16xi32>
      %shift_right_arithmetic3A_318 = arith.shrsi %add3A_284, %shift_right_arithmetic3A_317 : vector<16xi32>
      %mul3A_319 = arith.constant 256 : i32
      %mul3A_320 = vector.broadcast %mul3A_319 : i32 to vector<16xi32>
      %mul3A_321 = arith.muli %shift_right_arithmetic3A_318, %mul3A_320 : vector<16xi32>
      %and3A_322 = arith.constant 127 : i32
      %and3A_323 = vector.broadcast %and3A_322 : i32 to vector<16xi32>
      %and3A_324 = arith.andi %add3A_284, %and3A_323 : vector<16xi32>
      %add3A_325 = arith.addi %mul3A_321, %and3A_324 : vector<16xi32>
      tpu.vector_store_idx %arg21[%add3A_325], %select_n3A_311 : memref<2048xf32, #tpu.memory_space<vmem>>[vector<16xi32>], vector<16xf32>,
      %add3A_326 = arith.constant 128 : i32
      %add3A_327 = vector.broadcast %add3A_326 : i32 to vector<16xi32>
      %add3A_328 = arith.addi %add3A_325, %add3A_327 : vector<16xi32>
      tpu.vector_store_idx %arg21[%add3A_328], %select_n3A_315 : memref<2048xf32, #tpu.memory_space<vmem>>[vector<16xi32>], vector<16xf32>,
      %gather3A_329 = tpu.vector_load_idx %arg12[%add3A_284] : memref<1024xf32, #tpu.memory_space<vmem>>[vector<16xi32>], vector<16xf32>,
      %gather3A_330 = tpu.vector_load_idx %arg13[%add3A_284] : memref<1024xf32, #tpu.memory_space<vmem>>[vector<16xi32>], vector<16xf32>,
      %mul3A_331 = arith.mulf %gather3A_329, %select_n3A_311 : vector<16xf32>
      %mul3A_332 = arith.mulf %gather3A_330, %select_n3A_315 : vector<16xf32>
      %add3A_333 = arith.addf %mul3A_331, %mul3A_332 : vector<16xf32>
      %max3A_334 = arith.constant 9.99999993E-9 : f32
      %max3A_335 = vector.broadcast %max3A_334 : f32 to vector<16xf32>
      %max3A_336 = arith.maximumf %add3A_333, %max3A_335 : vector<16xf32>
      %div3A_337 = arith.divf %mul3A_331, %max3A_336 : vector<16xf32>
      tpu.vector_store_idx %arg20[%add3A_325], %div3A_337 : memref<2048xf32, #tpu.memory_space<vmem>>[vector<16xi32>], vector<16xf32>,
      %add3A_338 = arith.constant 128 : i32
      %add3A_339 = vector.broadcast %add3A_338 : i32 to vector<16xi32>
      %add3A_340 = arith.addi %add3A_325, %add3A_339 : vector<16xi32>
      %div3A_341 = arith.divf %mul3A_332, %max3A_336 : vector<16xf32>
      tpu.vector_store_idx %arg20[%add3A_340], %div3A_341 : memref<2048xf32, #tpu.memory_space<vmem>>[vector<16xi32>], vector<16xf32>,
      %scan3A_342 = arith.constant 0 : i32
      scf.yield %scan3A_342 : i32
    }
    %scan3A_66 = arith.constant 16 : i32
    %mul3A_67 = arith.constant 2 : i32
    %mul3A_68 = arith.muli %arg1, %mul3A_67 : i32
    %mul3A_69 = arith.constant 1024 : i32
    %mul3A_70 = arith.muli %mul3A_68, %mul3A_69 : i32
    %dma_start3A_71 = tpu.memref_slice %arg8[%mul3A_70] : memref<32768xf32, #tpu.memory_space<hbm>> -> memref<2048xf32, #tpu.memory_space<hbm>>
    %dma_start3A_72 = tpu.memref_slice %arg8[%mul3A_70] : memref<32768xf32, #tpu.memory_space<hbm>> -> memref<2048xf32, #tpu.memory_space<hbm>>
    tpu.enqueue_dma source(%arg20 : memref<2048xf32, #tpu.memory_space<vmem>>) target(%dma_start3A_72 : memref<2048xf32, #tpu.memory_space<hbm>>) target_semaphore(%arg26 : memref<!tpu.dma_semaphore, #tpu.memory_space<semaphore_mem>>)
    %dma_start3A_73 = tpu.memref_slice %arg9[%mul3A_70] : memref<32768xf32, #tpu.memory_space<hbm>> -> memref<2048xf32, #tpu.memory_space<hbm>>
    %dma_start3A_74 = tpu.memref_slice %arg9[%mul3A_70] : memref<32768xf32, #tpu.memory_space<hbm>> -> memref<2048xf32, #tpu.memory_space<hbm>>
    tpu.enqueue_dma source(%arg21 : memref<2048xf32, #tpu.memory_space<vmem>>) target(%dma_start3A_74 : memref<2048xf32, #tpu.memory_space<hbm>>) target_semaphore(%arg26 : memref<!tpu.dma_semaphore, #tpu.memory_space<semaphore_mem>>)
    %dma_wait3A_75 = tpu.memref_slice %arg7[%mul3A_20] : memref<32768xi32, #tpu.memory_space<hbm>> -> memref<2048xi32, #tpu.memory_space<hbm>>
    %dma_wait3A_76 = tpu.memref_slice %arg7[%mul3A_20] : memref<32768xi32, #tpu.memory_space<hbm>> -> memref<2048xi32, #tpu.memory_space<hbm>>
    tpu.wait_dma2 semaphore(%arg26 : memref<!tpu.dma_semaphore, #tpu.memory_space<semaphore_mem>>) src(%arg19 : memref<2048xi32, #tpu.memory_space<vmem>>) dst(%dma_wait3A_76 : memref<2048xi32, #tpu.memory_space<hbm>>)
    %dma_wait3A_77 = tpu.memref_slice %arg8[%mul3A_70] : memref<32768xf32, #tpu.memory_space<hbm>> -> memref<2048xf32, #tpu.memory_space<hbm>>
    %dma_wait3A_78 = tpu.memref_slice %arg8[%mul3A_70] : memref<32768xf32, #tpu.memory_space<hbm>> -> memref<2048xf32, #tpu.memory_space<hbm>>
    tpu.wait_dma2 semaphore(%arg26 : memref<!tpu.dma_semaphore, #tpu.memory_space<semaphore_mem>>) src(%arg20 : memref<2048xf32, #tpu.memory_space<vmem>>) dst(%dma_wait3A_78 : memref<2048xf32, #tpu.memory_space<hbm>>)
    %dma_wait3A_79 = tpu.memref_slice %arg9[%mul3A_70] : memref<32768xf32, #tpu.memory_space<hbm>> -> memref<2048xf32, #tpu.memory_space<hbm>>
    %dma_wait3A_80 = tpu.memref_slice %arg9[%mul3A_70] : memref<32768xf32, #tpu.memory_space<hbm>> -> memref<2048xf32, #tpu.memory_space<hbm>>
    tpu.wait_dma2 semaphore(%arg26 : memref<!tpu.dma_semaphore, #tpu.memory_space<semaphore_mem>>) src(%arg21 : memref<2048xf32, #tpu.memory_space<vmem>>) dst(%dma_wait3A_80 : memref<2048xf32, #tpu.memory_space<hbm>>)
    %eq3A = arith.constant 0 : i32
    %eq3A_81 = arith.cmpi eq, %arg1, %eq3A : i32
    %convert_element_type3A = arith.extui %eq3A_81 : i1 to i32
    %cond3A = arith.constant 0 : i32
    %cond3A_82 = arith.cmpi ne, %convert_element_type3A, %cond3A : i32
    scf.if %cond3A_82 {
      %run_scoped3A = arith.constant 0 : i32
      "tpu.region"() ({
        %run_scoped3A_99 = tpu.sem_alloc : memref<!tpu.dma_semaphore, #tpu.memory_space<semaphore_mem>>
        %dma_start3A_100 = arith.constant 0 : i32
        %dma_start3A_101 = tpu.memref_slice %arg5[%run_scoped3A, %dma_start3A_100] : memref<8x128xf32, #tpu.memory_space<hbm>> -> memref<1x128xf32, #tpu.memory_space<hbm>>
        %dma_start3A_102 = tpu.memref_squeeze %dma_start3A_101 : memref<1x128xf32, #tpu.memory_space<hbm>> -> memref<128xf32, #tpu.memory_space<hbm>>
        %dma_start3A_103 = arith.constant 0 : i32
        %dma_start3A_104 = tpu.memref_slice %arg5[%run_scoped3A, %dma_start3A_103] : memref<8x128xf32, #tpu.memory_space<hbm>> -> memref<1x128xf32, #tpu.memory_space<hbm>>
        %dma_start3A_105 = tpu.memref_squeeze %dma_start3A_104 : memref<1x128xf32, #tpu.memory_space<hbm>> -> memref<128xf32, #tpu.memory_space<hbm>>
        tpu.enqueue_dma source(%dma_start3A_105 : memref<128xf32, #tpu.memory_space<hbm>>) target(%arg22 : memref<128xf32, #tpu.memory_space<vmem>>) target_semaphore(%run_scoped3A_99 : memref<!tpu.dma_semaphore, #tpu.memory_space<semaphore_mem>>)
        %dma_wait3A_106 = arith.constant 0 : i32
        %dma_wait3A_107 = tpu.memref_slice %arg5[%run_scoped3A, %dma_wait3A_106] : memref<8x128xf32, #tpu.memory_space<hbm>> -> memref<1x128xf32, #tpu.memory_space<hbm>>
        %dma_wait3A_108 = tpu.memref_squeeze %dma_wait3A_107 : memref<1x128xf32, #tpu.memory_space<hbm>> -> memref<128xf32, #tpu.memory_space<hbm>>
        %dma_wait3A_109 = arith.constant 0 : i32
        %dma_wait3A_110 = tpu.memref_slice %arg5[%run_scoped3A, %dma_wait3A_109] : memref<8x128xf32, #tpu.memory_space<hbm>> -> memref<1x128xf32, #tpu.memory_space<hbm>>
        %dma_wait3A_111 = tpu.memref_squeeze %dma_wait3A_110 : memref<1x128xf32, #tpu.memory_space<hbm>> -> memref<128xf32, #tpu.memory_space<hbm>>
        tpu.wait_dma2 semaphore(%run_scoped3A_99 : memref<!tpu.dma_semaphore, #tpu.memory_space<semaphore_mem>>) src(%dma_wait3A_111 : memref<128xf32, #tpu.memory_space<hbm>>) dst(%arg22 : memref<128xf32, #tpu.memory_space<vmem>>)
        tpu.yield
      }) : () -> ()
      %broadcast_in_dim3A_83 = arith.constant 0.000000e+00 : f32
      %broadcast_in_dim3A_84 = vector.broadcast %broadcast_in_dim3A_83 : f32 to vector<16xf32>
      %scan3A_85 = arith.constant 0 : i32
      %scan3A_86 = arith.constant 4 : i32
      %scan3A_87 = arith.addi %scan3A_85, %scan3A_86 : i32
      %scan3A_88 = arith.constant 1 : i32
      %scan3A_89 = scf.for %scan3A_99 = %scan3A_85 to %scan3A_87 step %scan3A_88 iter_args(%scan3A_100 = %broadcast_in_dim3A_84) -> (vector<16xf32>)  : i32 {
        %mul3A_101 = arith.constant 16 : i32
        %mul3A_102 = arith.muli %scan3A_99, %mul3A_101 : i32
        %add3A_103 = vector.broadcast %mul3A_102 : i32 to vector<16xi32>
        %add3A_104 = arith.addi %add3A_103, %iota3A : vector<16xi32>
        %scan3A_105 = arith.constant 0 : i32
        %scan3A_106 = arith.constant 16 : i32
        %scan3A_107 = arith.addi %scan3A_105, %scan3A_106 : i32
        %scan3A_108 = arith.constant 1 : i32
        %scan3A_109 = scf.for %scan3A_114 = %scan3A_105 to %scan3A_107 step %scan3A_108 iter_args(%scan3A_115 = %broadcast_in_dim3A_2) -> (vector<16xi32>)  : i32 {
          %mul3A_116 = arith.constant 64 : i32
          %mul3A_117 = arith.muli %scan3A_114, %mul3A_116 : i32
          %add3A_118 = vector.broadcast %mul3A_117 : i32 to vector<16xi32>
          %add3A_119 = arith.addi %add3A_118, %add3A_104 : vector<16xi32>
          %gather3A_120 = tpu.vector_load_idx %arg18[%add3A_119] : memref<1024xi32, #tpu.memory_space<vmem>>[vector<16xi32>], vector<16xi32>,
          %add3A_121 = arith.addi %scan3A_115, %gather3A_120 : vector<16xi32>
          scf.yield %add3A_121 : vector<16xi32>
        }
        %scan3A_110 = arith.constant 16 : i32
        %gather3A = tpu.vector_load_idx %arg22[%add3A_104] : memref<128xf32, #tpu.memory_space<vmem>>[vector<16xi32>], vector<16xf32>,
        %convert_element_type3A_111 = arith.sitofp %scan3A_109 : vector<16xi32> to vector<16xf32>
        %mul3A_112 = arith.mulf %gather3A, %convert_element_type3A_111 : vector<16xf32>
        %add3A_113 = arith.addf %scan3A_100, %mul3A_112 : vector<16xf32>
        scf.yield %add3A_113 : vector<16xf32>
      }
      %scan3A_90 = arith.constant 4 : i32
      %reduce_sum3A = arith.constant true
      %reduce_sum3A_91 = vector.broadcast %reduce_sum3A : i1 to vector<16xi1>
      %reduce_sum3A_92 = tpu.scan <sum>, %scan3A_89 masked %reduce_sum3A_91 : vector<16xf32>, vector<16xi1> -> vector<16xf32>
      %reduce_sum3A_93 = vector.extract %reduce_sum3A_92[15] : f32 from vector<16xf32>
      %mul3A_94 = arith.mulf %reduce_sum3A_93, %squeeze3A : f32
      %broadcast_in_dim3A_95 = arith.constant 0.000000e+00 : f32
      %broadcast_in_dim3A_96 = vector.broadcast %broadcast_in_dim3A_95 : f32 to vector<16xf32>
      %add3A = vector.broadcast %mul3A_94 : f32 to vector<16xf32>
      %add3A_97 = arith.addf %broadcast_in_dim3A_96, %add3A : vector<16xf32>
      %swap3A = arith.constant 0 : index
      %swap3A_98 = tpu.vector_load %arg23[%swap3A] {strides = array<i32>} : memref<16xf32, #tpu.memory_space<vmem>>, vector<16xf32>,
      tpu.vector_store %arg23[%swap3A], %add3A_97 {strides = array<i32>} : memref<16xf32, #tpu.memory_space<vmem>>, vector<16xf32>,
      "tpu.region"() ({
        %run_scoped3A_99 = tpu.sem_alloc : memref<!tpu.dma_semaphore, #tpu.memory_space<semaphore_mem>>
        tpu.enqueue_dma source(%arg23 : memref<16xf32, #tpu.memory_space<vmem>>) target(%arg10 : memref<16xf32, #tpu.memory_space<hbm>>) target_semaphore(%run_scoped3A_99 : memref<!tpu.dma_semaphore, #tpu.memory_space<semaphore_mem>>)
        tpu.wait_dma2 semaphore(%run_scoped3A_99 : memref<!tpu.dma_semaphore, #tpu.memory_space<semaphore_mem>>) src(%arg23 : memref<16xf32, #tpu.memory_space<vmem>>) dst(%arg10 : memref<16xf32, #tpu.memory_space<hbm>>)
        tpu.yield
      }) : () -> ()
    } else {
    }
    return
  }
}

module attributes {stable_mosaic.version = 14 : i64} {
  func.func @_tc1_body(%arg0: i32, %arg1: memref<1x4096x768xf32, #tpu.memory_space<vmem>>, %arg2: memref<64x768xf32, #tpu.memory_space<vmem>>, %arg3: memref<1x64x4096xf32, #tpu.memory_space<vmem>>, %arg4: memref<4096xi32, #tpu.memory_space<vmem>>, %arg5: memref<4096xf32, #tpu.memory_space<vmem>>, %arg6: memref<4096xf32, #tpu.memory_space<vmem>>, %arg7: memref<8x128xf32, #tpu.memory_space<vmem>>) attributes {dimension_semantics = [#tpu.dimension_semantics<arbitrary>], iteration_bounds = array<i64: 4>, scalar_prefetch = 0 : i64, scratch_operands = 0 : i64, tpu.core_type = #tpu.core_type<tc>, window_params = [{transform_indices = @transform_0, window_bounds = array<i64: 1, 4096, 768>}, {pipeline_mode = #tpu.pipeline_mode<synchronous>, transform_indices = @transform_1, window_bounds = array<i64: 64, 768>}, {transform_indices = @transform_2, window_bounds = array<i64: 1, 64, 4096>}, {transform_indices = @transform_3, window_bounds = array<i64: 4096>}, {transform_indices = @transform_4, window_bounds = array<i64: 4096>}, {transform_indices = @transform_5, window_bounds = array<i64: 4096>}, {pipeline_mode = #tpu.pipeline_mode<synchronous>, transform_indices = @transform_6, window_bounds = array<i64: 8, 128>}]} {
    %get3A = arith.constant 0 : index
    %get3A_0 = arith.constant 0 : index
    %get3A_1 = arith.constant 0 : index
    %get3A_2 = vector.load %arg1[%get3A, %get3A_0, %get3A_1] : memref<1x4096x768xf32, #tpu.memory_space<vmem>>, vector<1x4096x768xf32>
    %get3A_3 = vector.shape_cast %get3A_2 : vector<1x4096x768xf32> to vector<4096x768xf32>
    %get3A_4 = arith.constant 0 : index
    %get3A_5 = arith.constant 0 : index
    %get3A_6 = vector.load %arg2[%get3A_4, %get3A_5] : memref<64x768xf32, #tpu.memory_space<vmem>>, vector<64x768xf32>
    %dot_general3A = arith.constant dense<0.000000e+00> : vector<64x4096xf32>
    %dot_general3A_7 = tpu.matmul %get3A_6, %get3A_3, %dot_general3A {dimension_numbers = #tpu.dot_dimension_numbers<[1], [1], [0], [0], [0, 0, 1, 0], [], []>, transpose_lhs_hint = false} : vector<64x768xf32>, vector<4096x768xf32>, vector<64x4096xf32> -> vector<64x4096xf32>
    %reduce_max3A = arith.constant dense<0xFF800000> : vector<4096xf32>
    %reduce_max3A_8 = vector.multi_reduction <maximumf>, %dot_general3A_7, %reduce_max3A [0] : vector<64x4096xf32> to vector<4096xf32>
    %broadcast_in_dim3A = vector.shape_cast %reduce_max3A_8 : vector<4096xf32> to vector<1x4096xf32>
    %sub3A = vector.broadcast %broadcast_in_dim3A : vector<1x4096xf32> to vector<64x4096xf32>
    %sub3A_9 = arith.subf %dot_general3A_7, %sub3A : vector<64x4096xf32>
    %exp3A = math.exp %sub3A_9 : vector<64x4096xf32>
    %reduce_sum3A = arith.constant dense<0.000000e+00> : vector<4096xf32>
    %reduce_sum3A_10 = vector.multi_reduction <add>, %exp3A, %reduce_sum3A [0] : vector<64x4096xf32> to vector<4096xf32>
    %broadcast_in_dim3A_11 = vector.shape_cast %reduce_sum3A_10 : vector<4096xf32> to vector<1x4096xf32>
    %div3A = vector.broadcast %broadcast_in_dim3A_11 : vector<1x4096xf32> to vector<64x4096xf32>
    %div3A_12 = arith.divf %exp3A, %div3A : vector<64x4096xf32>
    %swap3A = arith.constant 0 : index
    %swap3A_13 = arith.constant 0 : index
    %swap3A_14 = arith.constant 0 : index
    %swap3A_15 = vector.load %arg3[%swap3A, %swap3A_13, %swap3A_14] : memref<1x64x4096xf32, #tpu.memory_space<vmem>>, vector<1x64x4096xf32>
    %swap3A_16 = vector.shape_cast %swap3A_15 : vector<1x64x4096xf32> to vector<64x4096xf32>
    %swap3A_17 = vector.shape_cast %div3A_12 : vector<64x4096xf32> to vector<1x64x4096xf32>
    tpu.vector_store %arg3[%swap3A, %swap3A_13, %swap3A_14], %swap3A_17 {strides = array<i32>} : memref<1x64x4096xf32, #tpu.memory_space<vmem>>, vector<1x64x4096xf32>,
    %iota3A = tpu.iota {dimensions = array<i32: 0>} : vector<64x4096xi32>
    %reduce_max3A_18 = arith.constant dense<0xFF800000> : vector<4096xf32>
    %reduce_max3A_19 = vector.multi_reduction <maximumf>, %div3A_12, %reduce_max3A_18 [0] : vector<64x4096xf32> to vector<4096xf32>
    %broadcast_in_dim3A_20 = vector.shape_cast %reduce_max3A_19 : vector<4096xf32> to vector<1x4096xf32>
    %ge3A = vector.broadcast %broadcast_in_dim3A_20 : vector<1x4096xf32> to vector<64x4096xf32>
    %ge3A_21 = arith.cmpf oge, %div3A_12, %ge3A : vector<64x4096xf32>
    %jit3A = arith.constant 64 : i32
    %broadcast_in_dim3A_22 = vector.broadcast %jit3A : i32 to vector<64x4096xi32>
    %select_n3A = arith.select %ge3A_21, %iota3A, %broadcast_in_dim3A_22 : vector<64x4096xi1>, vector<64x4096xi32>
    %reduce_min3A = arith.constant dense<2147483647> : vector<4096xi32>
    %reduce_min3A_23 = vector.multi_reduction <minsi>, %select_n3A, %reduce_min3A [0] : vector<64x4096xi32> to vector<4096xi32>
    %broadcast_in_dim3A_24 = vector.shape_cast %reduce_min3A_23 : vector<4096xi32> to vector<1x4096xi32>
    %eq3A = vector.broadcast %broadcast_in_dim3A_24 : vector<1x4096xi32> to vector<64x4096xi32>
    %eq3A_25 = arith.cmpi eq, %iota3A, %eq3A : vector<64x4096xi32>
    %jit3A_26 = arith.constant -1.000000e+00 : f32
    %broadcast_in_dim3A_27 = vector.broadcast %jit3A_26 : f32 to vector<64x4096xf32>
    %select_n3A_28 = arith.select %eq3A_25, %broadcast_in_dim3A_27, %div3A_12 : vector<64x4096xi1>, vector<64x4096xf32>
    %reduce_max3A_29 = arith.constant dense<0xFF800000> : vector<4096xf32>
    %reduce_max3A_30 = vector.multi_reduction <maximumf>, %select_n3A_28, %reduce_max3A_29 [0] : vector<64x4096xf32> to vector<4096xf32>
    %broadcast_in_dim3A_31 = vector.shape_cast %reduce_max3A_30 : vector<4096xf32> to vector<1x4096xf32>
    %ge3A_32 = vector.broadcast %broadcast_in_dim3A_31 : vector<1x4096xf32> to vector<64x4096xf32>
    %ge3A_33 = arith.cmpf oge, %select_n3A_28, %ge3A_32 : vector<64x4096xf32>
    %jit3A_34 = arith.constant 64 : i32
    %broadcast_in_dim3A_35 = vector.broadcast %jit3A_34 : i32 to vector<64x4096xi32>
    %select_n3A_36 = arith.select %ge3A_33, %iota3A, %broadcast_in_dim3A_35 : vector<64x4096xi1>, vector<64x4096xi32>
    %reduce_min3A_37 = arith.constant dense<2147483647> : vector<4096xi32>
    %reduce_min3A_38 = vector.multi_reduction <minsi>, %select_n3A_36, %reduce_min3A_37 [0] : vector<64x4096xi32> to vector<4096xi32>
    %broadcast_in_dim3A_39 = vector.shape_cast %reduce_min3A_38 : vector<4096xi32> to vector<1x4096xi32>
    %mul3A = arith.constant 64 : i32
    %mul3A_40 = vector.broadcast %mul3A : i32 to vector<1x4096xi32>
    %mul3A_41 = arith.muli %broadcast_in_dim3A_24, %mul3A_40 : vector<1x4096xi32>
    %add3A = arith.addi %mul3A_41, %broadcast_in_dim3A_39 : vector<1x4096xi32>
    %reshape3A = vector.shape_cast %add3A : vector<1x4096xi32> to vector<4096xi32>
    %swap3A_42 = arith.constant 0 : index
    %swap3A_43 = vector.load %arg4[%swap3A_42] : memref<4096xi32, #tpu.memory_space<vmem>>, vector<4096xi32>
    tpu.vector_store %arg4[%swap3A_42], %reshape3A {strides = array<i32>} : memref<4096xi32, #tpu.memory_space<vmem>>, vector<4096xi32>,
    %reshape3A_44 = vector.shape_cast %broadcast_in_dim3A_20 : vector<1x4096xf32> to vector<4096xf32>
    %swap3A_45 = arith.constant 0 : index
    %swap3A_46 = vector.load %arg5[%swap3A_45] : memref<4096xf32, #tpu.memory_space<vmem>>, vector<4096xf32>
    tpu.vector_store %arg5[%swap3A_45], %reshape3A_44 {strides = array<i32>} : memref<4096xf32, #tpu.memory_space<vmem>>, vector<4096xf32>,
    %reshape3A_47 = vector.shape_cast %broadcast_in_dim3A_31 : vector<1x4096xf32> to vector<4096xf32>
    %swap3A_48 = arith.constant 0 : index
    %swap3A_49 = vector.load %arg6[%swap3A_48] : memref<4096xf32, #tpu.memory_space<vmem>>, vector<4096xf32>
    tpu.vector_store %arg6[%swap3A_48], %reshape3A_47 {strides = array<i32>} : memref<4096xf32, #tpu.memory_space<vmem>>, vector<4096xf32>,
    %eq3A_50 = arith.constant 0 : i32
    %eq3A_51 = arith.cmpi eq, %arg0, %eq3A_50 : i32
    %convert_element_type3A = arith.extui %eq3A_51 : i1 to i32
    %cond3A = arith.constant 0 : i32
    %cond3A_52 = arith.cmpi ne, %convert_element_type3A, %cond3A : i32
    scf.if %cond3A_52 {
      %broadcast_in_dim3A_64 = arith.constant 0.000000e+00 : f32
      %broadcast_in_dim3A_65 = vector.broadcast %broadcast_in_dim3A_64 : f32 to vector<8x128xf32>
      %swap3A_66 = arith.constant 0 : index
      %swap3A_67 = arith.constant 0 : index
      %swap3A_68 = vector.load %arg7[%swap3A_66, %swap3A_67] : memref<8x128xf32, #tpu.memory_space<vmem>>, vector<8x128xf32>
      tpu.vector_store %arg7[%swap3A_66, %swap3A_67], %broadcast_in_dim3A_65 {strides = array<i32>} : memref<8x128xf32, #tpu.memory_space<vmem>>, vector<8x128xf32>,
    } else {
    }
    %broadcast_in_dim3A_53 = arith.constant 1.000000e+00 : f32
    %broadcast_in_dim3A_54 = vector.broadcast %broadcast_in_dim3A_53 : f32 to vector<1x4096xf32>
    %get3A_55 = arith.constant 0 : index
    %get3A_56 = arith.constant 0 : index
    %get3A_57 = vector.load %arg7[%get3A_55, %get3A_56] : memref<8x128xf32, #tpu.memory_space<vmem>>, vector<1x64xf32>
    %dot_general3A_58 = arith.constant dense<0.000000e+00> : vector<1x64xf32>
    %dot_general3A_59 = tpu.matmul %broadcast_in_dim3A_54, %div3A_12, %dot_general3A_58 {dimension_numbers = #tpu.dot_dimension_numbers<[1], [1], [0], [0], [0, 0, 1, 0], [], []>, transpose_lhs_hint = false} : vector<1x4096xf32>, vector<64x4096xf32>, vector<1x64xf32> -> vector<1x64xf32>
    %add3A_60 = arith.addf %get3A_57, %dot_general3A_59 : vector<1x64xf32>
    %swap3A_61 = arith.constant 0 : index
    %swap3A_62 = arith.constant 0 : index
    %swap3A_63 = vector.load %arg7[%swap3A_61, %swap3A_62] : memref<8x128xf32, #tpu.memory_space<vmem>>, vector<1x64xf32>
    tpu.vector_store %arg7[%swap3A_61, %swap3A_62], %add3A_60 {strides = array<i32>} : memref<8x128xf32, #tpu.memory_space<vmem>>, vector<1x64xf32>,
    return
  }
  func.func @transform_0(%arg0: i32) -> (i32, i32, i32) {
    %jit3A = arith.constant 1 : i32
    %div3A = arith.divsi %arg0, %jit3A : i32
    %sign3A = arith.constant 0 : i32
    %sign3A_0 = arith.cmpi sgt, %arg0, %sign3A : i32
    %sign3A_1 = arith.extui %sign3A_0 : i1 to i32
    %sign3A_2 = arith.constant 0 : i32
    %sign3A_3 = arith.cmpi slt, %arg0, %sign3A_2 : i32
    %sign3A_4 = arith.extui %sign3A_3 : i1 to i32
    %sign3A_5 = arith.subi %sign3A_1, %sign3A_4 : i32
    %sign3A_6 = arith.constant 0 : i32
    %sign3A_7 = arith.cmpi sgt, %jit3A, %sign3A_6 : i32
    %sign3A_8 = arith.extui %sign3A_7 : i1 to i32
    %sign3A_9 = arith.constant 0 : i32
    %sign3A_10 = arith.cmpi slt, %jit3A, %sign3A_9 : i32
    %sign3A_11 = arith.extui %sign3A_10 : i1 to i32
    %sign3A_12 = arith.subi %sign3A_8, %sign3A_11 : i32
    %ne3A = arith.cmpi ne, %sign3A_5, %sign3A_12 : i32
    %rem3A = arith.remsi %arg0, %jit3A : i32
    %ne3A_13 = arith.constant 0 : i32
    %ne3A_14 = arith.cmpi ne, %rem3A, %ne3A_13 : i32
    %and3A = arith.andi %ne3A, %ne3A_14 : i1
    %sub3A = arith.constant 1 : i32
    %sub3A_15 = arith.subi %div3A, %sub3A : i32
    %select_n3A = arith.select %and3A, %sub3A_15, %div3A : i32
    %jit3A_16 = arith.constant 1 : i32
    %eq3A = arith.constant 0 : i32
    %eq3A_17 = arith.cmpi eq, %jit3A_16, %eq3A : i32
    %jit3A_18 = arith.constant 1 : i32
    %select_n3A_19 = arith.select %eq3A_17, %jit3A_18, %jit3A_16 : i32
    %rem3A_20 = arith.remsi %arg0, %select_n3A_19 : i32
    %ne3A_21 = arith.constant 0 : i32
    %ne3A_22 = arith.cmpi ne, %rem3A_20, %ne3A_21 : i32
    %lt3A = arith.constant 0 : i32
    %lt3A_23 = arith.cmpi slt, %rem3A_20, %lt3A : i32
    %lt3A_24 = arith.constant 0 : i32
    %lt3A_25 = arith.cmpi slt, %select_n3A_19, %lt3A_24 : i32
    %ne3A_26 = arith.xori %lt3A_23, %lt3A_25 : i1
    %and3A_27 = arith.andi %ne3A_26, %ne3A_22 : i1
    %add3A = arith.addi %rem3A_20, %select_n3A_19 : i32
    %select_n3A_28 = arith.select %and3A_27, %add3A, %rem3A_20 : i32
    %c0_i32 = arith.constant 0 : i32
    %c0_i32_29 = arith.constant 0 : i32
    return %select_n3A, %select_n3A_28, %c0_i32 : i32, i32, i32
  }
  func.func @transform_1(%arg0: i32) -> (i32, i32) {
    %c0_i32 = arith.constant 0 : i32
    %c0_i32_0 = arith.constant 0 : i32
    %c0_i32_1 = arith.constant 0 : i32
    return %c0_i32, %c0_i32_0 : i32, i32
  }
  func.func @transform_2(%arg0: i32) -> (i32, i32, i32) {
    %jit3A = arith.constant 1 : i32
    %div3A = arith.divsi %arg0, %jit3A : i32
    %sign3A = arith.constant 0 : i32
    %sign3A_0 = arith.cmpi sgt, %arg0, %sign3A : i32
    %sign3A_1 = arith.extui %sign3A_0 : i1 to i32
    %sign3A_2 = arith.constant 0 : i32
    %sign3A_3 = arith.cmpi slt, %arg0, %sign3A_2 : i32
    %sign3A_4 = arith.extui %sign3A_3 : i1 to i32
    %sign3A_5 = arith.subi %sign3A_1, %sign3A_4 : i32
    %sign3A_6 = arith.constant 0 : i32
    %sign3A_7 = arith.cmpi sgt, %jit3A, %sign3A_6 : i32
    %sign3A_8 = arith.extui %sign3A_7 : i1 to i32
    %sign3A_9 = arith.constant 0 : i32
    %sign3A_10 = arith.cmpi slt, %jit3A, %sign3A_9 : i32
    %sign3A_11 = arith.extui %sign3A_10 : i1 to i32
    %sign3A_12 = arith.subi %sign3A_8, %sign3A_11 : i32
    %ne3A = arith.cmpi ne, %sign3A_5, %sign3A_12 : i32
    %rem3A = arith.remsi %arg0, %jit3A : i32
    %ne3A_13 = arith.constant 0 : i32
    %ne3A_14 = arith.cmpi ne, %rem3A, %ne3A_13 : i32
    %and3A = arith.andi %ne3A, %ne3A_14 : i1
    %sub3A = arith.constant 1 : i32
    %sub3A_15 = arith.subi %div3A, %sub3A : i32
    %select_n3A = arith.select %and3A, %sub3A_15, %div3A : i32
    %jit3A_16 = arith.constant 1 : i32
    %eq3A = arith.constant 0 : i32
    %eq3A_17 = arith.cmpi eq, %jit3A_16, %eq3A : i32
    %jit3A_18 = arith.constant 1 : i32
    %select_n3A_19 = arith.select %eq3A_17, %jit3A_18, %jit3A_16 : i32
    %rem3A_20 = arith.remsi %arg0, %select_n3A_19 : i32
    %ne3A_21 = arith.constant 0 : i32
    %ne3A_22 = arith.cmpi ne, %rem3A_20, %ne3A_21 : i32
    %lt3A = arith.constant 0 : i32
    %lt3A_23 = arith.cmpi slt, %rem3A_20, %lt3A : i32
    %lt3A_24 = arith.constant 0 : i32
    %lt3A_25 = arith.cmpi slt, %select_n3A_19, %lt3A_24 : i32
    %ne3A_26 = arith.xori %lt3A_23, %lt3A_25 : i1
    %and3A_27 = arith.andi %ne3A_26, %ne3A_22 : i1
    %add3A = arith.addi %rem3A_20, %select_n3A_19 : i32
    %select_n3A_28 = arith.select %and3A_27, %add3A, %rem3A_20 : i32
    %c0_i32 = arith.constant 0 : i32
    %c0_i32_29 = arith.constant 0 : i32
    return %select_n3A, %c0_i32, %select_n3A_28 : i32, i32, i32
  }
  func.func @transform_3(%arg0: i32) -> i32 {
    %c0_i32 = arith.constant 0 : i32
    return %arg0 : i32
  }
  func.func @transform_4(%arg0: i32) -> i32 {
    %c0_i32 = arith.constant 0 : i32
    return %arg0 : i32
  }
  func.func @transform_5(%arg0: i32) -> i32 {
    %c0_i32 = arith.constant 0 : i32
    return %arg0 : i32
  }
  func.func @transform_6(%arg0: i32) -> (i32, i32) {
    %c0_i32 = arith.constant 0 : i32
    %c0_i32_0 = arith.constant 0 : i32
    %c0_i32_1 = arith.constant 0 : i32
    return %c0_i32, %c0_i32_0 : i32, i32
  }
}

</mosaic_0001>

<sc_bundles>
// kernel: kernel.4.cloned.1.call-start
scs
__scs_entry_jumppad:
0x0: {  	(pc) =	sbr.rel $0x88, $3  }
0x1: {  	(tag) =	ssettag $0x0;
	lr =	simm.s32 $0x1  }
0x2: {  	[smem:$0x3F9F] =	sst lr;
	_ =	strace $0xD0000000  }
0x3: {  	_ = 	snop  }
0x4: {  	_ = 	snop  }
0x5: {  	_ = 	snop  }
0x6: {  	_ = 	snop  }
0x7: {  	_ = 	snop  }
__scs_overlays_trampoline_lowered:
0x8: {  	[smem:$0x3FAE] =	sst s0  }
0x9: {  	[smem:$0x3FAF] =	sst s1  }
0xa: {  	[smem:$0x3FB0] =	sst s2  }
0xb: {  	[smem:$0x3FB1] =	sst s3  }
0xc: {  	[smem:$0x3FB2] =	sst s4  }
0xd: {  	[smem:$0x3FB3] =	sst s5  }
0xe: {  	[smem:$0x3FB4] =	sst s6  }
0xf: {  	[smem:$0x3FB5] =	sst s7  }
0x10: {  	[smem:$0x3FB6] =	sst s8  }
0x11: {  	[smem:$0x3FB7] =	sst s9;
	s0 =	simm.s32 @!p0 $0x0  }
0x12: {  	s1 =	sld [smem:$0x3F9D];
	s0 =	simm.s32 @p0 $0x1  }
0x13: {  	[smem:$0x3FB8] =	sst s0;
	s0 =	simm.s32 @!p1 $0x0  }
0x14: {  	s2 =	sld [smem:$0x3F9C];
	s0 =	simm.s32 @p1 $0x1  }
0x15: {  	[smem:$0x3FB9] =	sst s0;
	s0 =	simm.s32 @!p2 $0x0  }
0x16: {  	s3 =	sld [smem:$0x3FDB];
	s0 =	simm.s32 @p2 $0x1  }
0x17: {  	s4 =	simm.s32 $0x1BF5;
	[smem:$0x3FBB] =	sst s0  }
0x18: {  	s0 =	sld [smem:$0x3F9E];
	_ =	swait.ge [sflag:s4], $0x0  }
0x19: {  	s7 =	sld [smem:$0x3F9F]  }
0x1a: {  	s8 =	sadd.s32 $0xFFFFE003, lr  }
0x1b: {  	s9 =	sadd.s32 $0xFFFFFEF7, lr;
	s5 =	simm.s32 $0xFFFFFFFF;
	p2 =	slt.u32 s8, $0xFFFFF086  }
0x1c: {  	p1 =	slt.u32 s9, $0xF7A;
	s5 =	simm.s32 @!p2 $0x0  }
0x1d: {  	s5 =	simm.s32 @p1 $0x1;
	p0 =	seq.s32 s7, s2  }
0x1e: {  	s7 =	smul.u32 @!p0 $0xF7A, s2;
	p2 =	seq.s32 @!p0 s5, $0x0  }
0x1f: {  	s9 =	smul.u32 $0xF7A, s1;
	s8 =	simm.s32 @!p0 $0x1BF5;
	p2 =	por !p2, p0  }
0x20: {  	[sflag:s8] =	ssyncset.s32 @!p0 $0xFFFFF086;
	s6 =	sadd.s32 @!p0 s3, s7;
	s7 =	simm.s32 @!p0 $0x108  }
0x21: {  	s3 =	sadd.s32 s3, s9;
	s6 =	sadd.s32 @!p0 $0x88, s6;
	s7 =	simm.s32 @p2 $0x1082  }
0x22: {  	[simem:s7], [sflag:s8] =	dma.local @!p0 [hbm:s6], $0xF7A  }
0x23: {  	s9 =	sor.u32 $0xD0000000, s2;
	s6 =	simm.s32 $0x108;
	_ =	swait.ge @!p0 [sflag:s8], $0x0  }
0x24: {  	s3 =	sadd.s32 $0x88, s3;
	s6 =	simm.s32 @!p1 $0x1082;
	[sflag:s4] =	ssyncset.s32 $0xFFFFF086  }
0x25: {  	[simem:s6], [sflag:s4] =	dma.local [hbm:s3], $0xF7A  }
0x26: {  	[smem:$0x3F9F] =	sst s1;
	(tag) =	ssettag s2;
	_ =	strace s9  }
0x27: {  	s1 =	sld [smem:$0x3FAF]  }
0x28: {  	s2 =	sld [smem:$0x3FB0]  }
0x29: {  	s4 =	sld [smem:$0x3FB2]  }
0x2a: {  	p0 =	seq.s32 s5, $0x0;
	s5 =	sld [smem:$0x3FB3]  }
0x2b: {  	s6 =	sld [smem:$0x3FB4]  }
0x2c: {  	s7 =	sld [smem:$0x3FB5]  }
0x2d: {  	s3 =	simm.s32 $0x108;
	s8 =	sld [smem:$0x3FB6]  }
0x2e: {  	s3 =	simm.s32 @!p0 $0x1082;
	s9 =	sld [smem:$0x3FB7]  }
0x2f: {  	lr =	sadd.s32 s0, s3;
	s0 =	sld [smem:$0x3FAE]  }
0x30: {  	s3 =	sld [smem:$0x3FB1]  }
0x31: {  	[smem:$0x3FBA] =	sst s10  }
0x32: {  	s10 =	sld [smem:$0x3FB8];
	_ =	sdelay $0x3  }
0x33: {  	p0 =	seq.s32 s10, $0x1;
	s10 =	sld [smem:$0x3FBA];
	_ =	sdelay $0x3  }
0x34: {  	[smem:$0x3FBA] =	sst s10  }
0x35: {  	s10 =	sld [smem:$0x3FB9];
	_ =	sdelay $0x3  }
0x36: {  	p1 =	seq.s32 s10, $0x1;
	s10 =	sld [smem:$0x3FBA];
	_ =	sdelay $0x3  }
0x37: {  	[smem:$0x3FBA] =	sst s10  }
0x38: {  	s10 =	sld [smem:$0x3FBB]  }
0x39: {  	_ = 	snop;
	(pc) =	sbr.ind lr, $3  }
0x3a: {  	_ = 	snop  }
0x3b: {  	_ = 	snop  }
0x3c: {  	p2 =	seq.s32 s10, $0x1;
	s10 =	sld [smem:$0x3FBA]  }
0x3d: {  	_ =	shalt  }
0x3e: {  	_ =	shalt  }
0x3f: {  	_ =	shalt  }
0x40: {  	_ =	shalt  }
0x41: {  	_ =	shalt  }
0x42: {  	_ =	shalt  }
0x43: {  	_ =	shalt  }
0x44: {  	_ =	shalt  }
0x45: {  	_ =	shalt  }
0x46: {  	_ =	shalt  }
0x47: {  	_ =	shalt  }
0x48: {  	_ =	shalt  }
0x49: {  	_ =	shalt  }
0x4a: {  	_ =	shalt  }
0x4b: {  	_ =	shalt  }
0x4c: {  	_ =	shalt  }
0x4d: {  	_ =	shalt  }
0x4e: {  	_ =	shalt  }
0x4f: {  	_ =	shalt  }
0x50: {  	_ =	shalt  }
0x51: {  	_ =	shalt  }
0x52: {  	_ =	shalt  }
0x53: {  	_ =	shalt  }
0x54: {  	_ =	shalt  }
0x55: {  	_ =	shalt  }
0x56: {  	_ =	shalt  }
0x57: {  	_ =	shalt  }
0x58: {  	_ =	shalt  }
0x59: {  	_ =	shalt  }
0x5a: {  	_ =	shalt  }
0x5b: {  	_ =	shalt  }
0x5c: {  	_ =	shalt  }
0x5d: {  	_ =	shalt  }
0x5e: {  	_ =	shalt  }
0x5f: {  	_ =	shalt  }
0x60: {  	_ =	shalt  }
0x61: {  	_ =	shalt  }
0x62: {  	_ =	shalt  }
0x63: {  	_ =	shalt  }
0x64: {  	_ =	shalt  }
0x65: {  	_ =	shalt  }
0x66: {  	_ =	shalt  }
0x67: {  	_ =	shalt  }
0x68: {  	_ =	shalt  }
0x69: {  	_ =	shalt  }
0x6a: {  	_ =	shalt  }
0x6b: {  	_ =	shalt  }
0x6c: {  	_ =	shalt  }
0x6d: {  	_ =	shalt  }
0x6e: {  	_ =	shalt  }
0x6f: {  	_ =	shalt  }
0x70: {  	_ =	shalt  }
0x71: {  	_ =	shalt  }
0x72: {  	_ =	shalt  }
0x73: {  	_ =	shalt  }
0x74: {  	_ =	shalt  }
0x75: {  	_ =	shalt  }
0x76: {  	_ =	shalt  }
0x77: {  	_ =	shalt  }
0x78: {  	_ =	shalt  }
0x79: {  	_ =	shalt  }
0x7a: {  	_ =	shalt  }
0x7b: {  	_ =	shalt  }
0x7c: {  	_ =	shalt  }
0x7d: {  	_ =	shalt  }
0x7e: {  	_ =	shalt  }
0x7f: {  	_ =	shalt  }
0x80: {  	_ =	shalt  }
0x81: {  	_ =	shalt  }
0x82: {  	_ =	shalt  }
0x83: {  	_ =	shalt  }
0x84: {  	_ =	shalt  }
0x85: {  	_ =	shalt  }
0x86: {  	_ =	shalt  }
0x87: {  	_ =	shalt  }
.Lfunc_end0:
.L_simem_size_0:
called_computation_lowered:
.L_overlay_start_0:
0x88: {  	s0 =	sld [smem:$0x3FD9]  }
0x89: {  	s1 =	sld [smem:$0x3FFE];
	_ =	sdelay $0x3  }
0x8a: {  	s0 =	sadd.s32 s1, s0  }
0x8b: {  	[smem:$0x3FC6] =	sst s0  }
0x8c: {  	_ = 	snop  }
0x8d: {  	s0 =	sld [smem:$0x3FD0];
	_ =	sdelay $0x2  }
0x8e: {  	s13 =	simm.s32 $0xA;
	s2 =	simm.s32 $0x10  }
0x8f: {  	[smem:s2], [sflag:s13] =	dma.local [hbm:s0], $0x1  }
0x90: {  	_ =	swait.eq [sflag:s13], $0x1  }
0x91: {  	s14 =	sld [smem:$0x10]  }
0x92: {  	s15 =	sld [smem:$0x11];
	[sflag:s13] =	ssyncset.done $0x0  }
0x93: {  	s3 =	sld [smem:$0x13];
	[sflag:s13] =	ssyncadd.s32 $0xFFFFFFFF  }
0x94: {  	s16 =	sld [smem:$0x14];
	(tm) =	ssettm $0x1  }
0x95: {  	s4 =	sld [smem:$0x3FFB];
	_ =	sdelay $0x3  }
0x96: {  	_ =	strace s4  }
0x97: {  	s4 =	sld [smem:$0x3FFC];
	_ =	sdelay $0x3  }
0x98: {  	_ =	strace s4  }
0x99: {  	s4 =	sld [smem:$0x3FFD];
	_ =	sdelay $0x3  }
0x9a: {  	_ =	strace s4  }
0x9b: {  	_ =	strace $0x8FFFFFFF  }
0x9c: {  	s17 =	sld [smem:$0x3FDB];
	_ =	sdelay $0x1  }
0x9d: {  	s5 =	simm.s32 $_scs_section_size  }
0x9e: {  	s6 =	simm.s32 $_size__tile_overlayer_lowered;
	s7 =	simm.s32 $_tile_overlayer_lowered  }
0x9f: {  	s20 =	simm.s32 $0x1BFF;
	s19 =	sshll.u32 s7, $0x1;
	s4 =	sadd.s32 s5, s17  }
0xa0: {  	s8 =	simm.s32 $0x0;
	s18 =	sshll.u32 s6, $0x1;
	s6 =	sadd.s32 s19, s4  }
0xa1: {  	[timem:s8], [sflag:s20] =	dma.local [hbm:s6], s18  }
0xa2: {  	_ =	swait.ge [sflag:s20], s18  }
0xa3: {  	s5 =	ssub.s32 $0x0, s18;
	[sflag:s20] =	ssyncset.done $0x0  }
0xa4: {  	[sflag:s20] =	ssyncadd.s32 s5;
	_ =	sdelay $0x1  }
0xa5: {  	s21 =	simm.s32 $0x1B8B  }
0xa6: {  	_ =	swait.ge [sflag:s21], $0x1  }
0xa7: {  	[sflag:s21] =	ssyncset.done $0x0  }
0xa8: {  	s23 =	simm.s32 $0x1B8E;
	s22 =	sld [smem:$0x3FFE];
	[sflag:s21] =	ssyncadd.s32 $0xFFFFFFFF  }
0xa9: {  	s24 =	simm.s32 $execute0_lowered;
	[smem:$0x3FD2] =	sst s23  }
0xaa: {  	s6 =	sshll.u32 s24, $0x1;
	_ =	strace $0x80000046;
	[dreg:$0x1] =	wrdreg $0xFFFFFFFF  }
0xab: {  	s25 =	simm.s32 $_size_execute0_lowered;
	s4 =	sadd.s32 s4, s6;
	[dreg:$0x0] =	wrdreg $0x0  }
0xac: {  	s6 =	sshll.u32 s25, $0x1;
	[dreg:$0x2] =	wrdreg s4  }
0xad: {  	[dreg:$0x3] =	wrdreg s6  }
0xae: {  	[dreg:$0x4] =	wrdreg $0xC0  }
0xaf: {  	_ =	task [dreg:s8], $0x5FFFF  }
0xb0: {  	[dreg:$0x1] =	wrdreg $0xFFFFFFFF  }
0xb1: {  	[dreg:$0x0] =	wrdreg $0x60  }
0xb2: {  	[dreg:$0x2] =	wrdreg s22  }
0xb3: {  	[dreg:$0x3] =	wrdreg s14  }
0xb4: {  	[dreg:$0x4] =	wrdreg s15  }
0xb5: {  	[dreg:$0x5] =	wrdreg s16  }
0xb6: {  	[dreg:$0x6] =	wrdreg s3  }
0xb7: {  	[dreg:$0x7] =	wrdreg $0x32000  }
0xb8: {  	[dreg:$0x8] =	wrdreg $0x9  }
0xb9: {  	_ =	task.clear_ibuf [dreg:s8], $0x9FFFF;
	_ =	strace $0x90000046  }
0xba: {  	s26 =	simm.s32 $0x9;
	_ =	strace $0x80000048  }
0xbb: {  	_ =	swait.ge [sflag:s26], $0x1  }
0xbc: {  	[sflag:s26] =	ssyncadd.s32 $0xFFFFFFFF  }
0xbd: {  	_ =	strace $0x90000048  }
0xbe: {  	_ =	sfence  }
0xbf: {  	s28 =	sld [smem:$0x0];
	_ =	sdelay $0x1  }
0xc0: {  	s29 =	srdreg.scid  }
0xc1: {  	s30 =	sshll.u32 s29, $0xD;
	s31 =	sshrl.u32 s29, $0x2  }
0xc2: {  	s1 =	sand.u32 $0x1, s29;
	s2 =	sand.u32 $0x4000, s30;
	s0 =	sadd.s32 s31, s28  }
0xc3: {  	s1 =	sor.u32 s2, s1;
	s0 =	sshll.u32 s0, $0x11  }
0xc4: {  	s0 =	sor.u32 s0, s1  }
0xc5: {  	s0 =	sadd.s32 $0x8F2B, s0  }
0xc6: {  	[sflag:s0] =	ssyncadd.remote.s32 $0x1  }
0xc7: {  	_ =	sfence.sel $0xFFFF  }
0xc8: {  	[dreg:$0x0] =	wrdreg $0xFFFFFFFF;
	(pc) =	sbr.abs _section_cstart, $3  }
0xc9: {  	[dreg:$0x1] =	wrdreg $0xFFFFFFFF  }
0xca: {  	_ =	task.clear_ibuf [dreg:s8], $0x2FFFF;
	_ =	strace $0x9FFFFFFF  }
0xcb: {  	(tm) =	ssettm $0x7FFFFFFF  }
tec
execute0_lowered:
.L_overlay_start_1:
0x0: {  	(tag) =	ssettag $0x1  }
0x1: {  	s3 =	rddreg [dreg:$0x0]  }
0x2: {  	s7 =	rddreg [dreg:$0x1]  }
0x3: {  	s4 =	rddreg [dreg:$0x2]  }
0x4: {  	s5 =	rddreg [dreg:$0x3]  }
0x5: {  	s1 =	rddreg [dreg:$0x4]  }
0x6: {  	s6 =	rddreg [dreg:$0x5]  }
0x7: {  	s0 =	rddreg [dreg:$0x6];
	s8 =	simm.s32 $0x0  }
0x8: {  	[smem:$0x7FF] =	sst s8  }
0x9: {  	s9 =	simm.s32 $0x3240;
	s2 =	sadd.s32 $0x2E00, s3;
	_ =	strace $0x80000047  }
0xa: {  	[tilespmem:s9], [sflag:$0x3] =	stream.linear.gather [hbm4b:s2+s8], $0x1, $0x38;
	[tilespmem:$0x32C0] =	vst v63  }
0xb: {  	s23 =	simm.s32 $0x3;
	s2 =	stileid.u32  }
0xc: {  	_ =	swait.ge [sflag:s23], $0x1;
	s10 =	sshll.u32 s2, $0x7  }
0xd: {  	s11 =	simm.s32 $0x400;
	[sflag:s23] =	ssyncset.done $0x0;
	s10 =	sadd.s32 s10, s3  }
0xe: {  	s12 =	simm.s32 $0x30;
	[sflag:s23] =	ssyncadd.s32 $0xFFFFFFFF;
	s24 =	sadd.s32 $0x1400, s10  }
0xf: {  	v1 =	vlaneseq.u32;
	v0 =	vld [tilespmem:$0x3240];
	[tilespmem:s8], [sflag:$0x1] =	stream.linear.gather [hbm4b:s24+s8], $0x400, $0x38  }
0x10: {  	s28 =	simm.s32 $0x800;
	s31 =	simm.s32 $0x20;
	v6 =	vor.u32 s12, v1;
	s25 =	sadd.s32 $0x1C00, s10  }
0x11: {  	[tilespmem:s11], [sflag:$0x1] =	stream.linear.gather [hbm4b:s25+s8], $0x400, $0x38;
	[tilespmem:$0x32C0] =	vst v63  }
0x12: {  	s29 =	simm.s32 $0x0;
	s30 =	simm.s32 $0x10;
	v5 =	vor.u32 s31, v1;
	s26 =	sadd.s32 $0x2400, s10  }
0x13: {  	v4 =	vor.u32 s30, v1;
	[tilespmem:s28], [sflag:$0x1] =	stream.linear.gather [hbm4b:s26+s8], $0x400, $0x38;
	[tilespmem:$0x32C0] =	vst v63  }
0x14: {  	v2 =	vimm.s32 $0x0;
	v3 =	vor.u32 s29, v1;
	s8 =	simm.s32 $0xC00  }
0x15: {  	s9 =	simm.s32 $0x70;
	s3 =	sadd.s32 $0x2C00, s3;
	s10 =	simm.s32 $0x4;
	[tilespmem:v6+s8+$0x0] =	vst.idx.msk $0xffff, v2  }
.LBB2_1:
0x16: {  	s11 =	sadd.s32 $0xFFFFFFD0, s9;
	s10 =	sadd.s32 $0x4, s10  }
0x17: {  	s12 =	sadd.s32 $0xFFFFFFE0, s9;
	s13 =	sadd.s32 $0xFFFFFFF0, s9;
	v6 =	vor.u32 s9, v1;
	[tilespmem:v5+s8+$0x0] =	vst.idx.msk $0xffff, v2;
	p0 =	slt.u32 s10, $0x3C  }
.Ltmp0:
0x18: {  	v7 =	vor.u32 s11, v1;
	v5 =	vor.u32 s13, v1;
	[tilespmem:v4+s8+$0x0] =	vst.idx.msk $0xffff, v2;
	v4 =	vor.u32 s12, v1;
	(pc) =	sbr.rel @p0 .LBB2_1-.Ltmp0, $2  }
0x19: {  	[tilespmem:v3+s8+$0x0] =	vst.idx.msk $0xffff, v2;
	v3 =	vmov v7;
	_ =	sdelay $0x2  }
0x1a: {  	s9 =	sadd.s32 $0x40, s9;
	[tilespmem:v6+s8+$0x0] =	vst.idx.msk $0xffff, v2  }
0x1b: {  	_ =	sdelay $0x1  }
0x1c: {  	s10 =	sadd.s32 $0xFFFFFFF0, s9;
	v6 =	vor.u32 s9, v1  }
0x1d: {  	s11 =	sadd.s32 $0xFFFFFFE0, s9;
	v7 =	vor.u32 s10, v1  }
0x1e: {  	s30 =	sadd.s32 $0xFFFFFFD0, s9;
	[tilespmem:v5+s8+$0x0] =	vst.idx.msk $0xffff, v2;
	v5 =	vor.u32 s11, v1  }
0x1f: {  	[tilespmem:v4+s8+$0x0] =	vst.idx.msk $0xffff, v2;
	v8 =	vor.u32 s30, v1  }
0x20: {  	[tilespmem:v3+s8+$0x0] =	vst.idx.msk $0xffff, v2  }
0x21: {  	[tilespmem:v6+s8+$0x0] =	vst.idx.msk $0xffff, v2  }
0x22: {  	[tilespmem:v7+s8+$0x0] =	vst.idx.msk $0xffff, v2  }
0x23: {  	v1 =	vlaneseq.u32;
	[tilespmem:v5+s8+$0x0] =	vst.idx.msk $0xffff, v2  }
0x24: {  	s31 =	simm.s32 $0x1;
	v3 =	vmul.u32 $0x40, v1;
	[tilespmem:v8+s8+$0x0] =	vst.idx.msk $0xffff, v2;
	v2 =	vshrl.u32 v1, $0x1  }
0x25: {  	_ =	swait.ge [sflag:s31], $0x400;
	v2 =	vmul.u32 $0x100, v2  }
0x26: {  	s9 =	simm.s32 $0xC00;
	s10 =	simm.s32 $0x1900;
	v6 =	vor.u32 $0x2, v3;
	[sflag:s31] =	ssyncset.done $0x0  }
0x27: {  	s11 =	simm.s32 $0x0;
	s8 =	simm.s32 $0x0;
	v5 =	vor.u32 $0x1, v3;
	v7 =	vor.u32 $0x3, v3;
	[sflag:s31] =	ssyncadd.s32 $0xFFFFFC00;
	v4 =	vor.u32 $0x80, v2  }
.LBB2_3:
0x28: {  	v8 =	vor.u32 s11, v3;
	_ =	sdelay $0x4  }
0x29: {  	v9 =	vld.idx.msk [tilespmem:v8+s8+$0x0], $0xffff;
	_ =	sdelay $0x4  }
0x2a: {  	v10 =	vshra.s32 v9, $0x6  }
0x2b: {  	v9 =	vand.u32 $0x3F, v9;
	v11 =	vshll.u32 v10, $0x4  }
0x2c: {  	v12 =	vshll.u32 v9, $0x4;
	v11 =	vor.u32 v1, v11  }
0x2d: {  	v12 =	vor.u32 v1, v12;
	_ =	sdelay $0x3  }
0x2e: {  	v13 =	vld.idx.msk [tilespmem:v11+s9+$0x0], $0xffff  }
0x2f: {  	v14 =	vld.idx.msk [tilespmem:v12+s9+$0x0], $0xffff  }
0x30: {  	v8 =	vand.u32 $0x7C, v8  }
0x31: {  	v15 =	vor.u32 v2, v8  }
0x32: {  	v8 =	vor.u32 v4, v8  }
0x33: {  	v16 =	vor.u32 s11, v5;
	v13 =	vadd.s32 $0x1, v13  }
0x34: {  	v41 =	vadd.s32 $0x1, v14;
	[tilespmem:v11+s9+$0x0] =	vst.idx.msk $0xffff, v13  }
0x35: {  	[tilespmem:v12+s9+$0x0] =	vst.idx.msk $0xffff, v41  }
0x36: {  	[tilespmem:v15+s10+$0x0] =	vst.idx.msk $0xffff, v10  }
0x37: {  	[tilespmem:v8+s10+$0x0] =	vst.idx.msk $0xffff, v9  }
0x38: {  	v8 =	vld.idx.msk [tilespmem:v16+s8+$0x0], $0xffff;
	_ =	sdelay $0x4  }
0x39: {  	v42 =	vshra.s32 v8, $0x6  }
0x3a: {  	v8 =	vand.u32 $0x3F, v8;
	v43 =	vshll.u32 v42, $0x4  }
0x3b: {  	v44 =	vshll.u32 v8, $0x4;
	v10 =	vor.u32 v1, v43  }
0x3c: {  	v11 =	vor.u32 v1, v44;
	_ =	sdelay $0x3  }
0x3d: {  	v12 =	vld.idx.msk [tilespmem:v10+s9+$0x0], $0xffff  }
0x3e: {  	v13 =	vld.idx.msk [tilespmem:v11+s9+$0x0], $0xffff  }
0x3f: {  	v45 =	vand.u32 $0x7D, v16  }
0x40: {  	v46 =	vor.u32 v2, v45  }
0x41: {  	v14 =	vor.u32 v4, v45  }
0x42: {  	v47 =	vor.u32 s11, v6;
	v12 =	vadd.s32 $0x1, v12  }
0x43: {  	v48 =	vadd.s32 $0x1, v13;
	[tilespmem:v10+s9+$0x0] =	vst.idx.msk $0xffff, v12  }
0x44: {  	[tilespmem:v11+s9+$0x0] =	vst.idx.msk $0xffff, v48  }
0x45: {  	[tilespmem:v46+s10+$0x0] =	vst.idx.msk $0xffff, v42  }
0x46: {  	[tilespmem:v14+s10+$0x0] =	vst.idx.msk $0xffff, v8  }
0x47: {  	v8 =	vld.idx.msk [tilespmem:v47+s8+$0x0], $0xffff;
	_ =	sdelay $0x4  }
0x48: {  	v49 =	vshra.s32 v8, $0x6  }
0x49: {  	v8 =	vand.u32 $0x3F, v8;
	v50 =	vshll.u32 v49, $0x4  }
0x4a: {  	v51 =	vshll.u32 v8, $0x4;
	v10 =	vor.u32 v1, v50  }
0x4b: {  	v11 =	vor.u32 v1, v51;
	_ =	sdelay $0x3  }
0x4c: {  	v12 =	vld.idx.msk [tilespmem:v10+s9+$0x0], $0xffff  }
0x4d: {  	v52 =	vld.idx.msk [tilespmem:v11+s9+$0x0], $0xffff  }
0x4e: {  	v53 =	vand.u32 $0x7E, v47  }
0x4f: {  	v54 =	vor.u32 v2, v53  }
0x50: {  	v14 =	vor.u32 v4, v53  }
0x51: {  	v55 =	vor.u32 s11, v7;
	v12 =	vadd.s32 $0x1, v12  }
0x52: {  	v56 =	vadd.s32 $0x1, v52;
	[tilespmem:v10+s9+$0x0] =	vst.idx.msk $0xffff, v12  }
0x53: {  	[tilespmem:v11+s9+$0x0] =	vst.idx.msk $0xffff, v56  }
0x54: {  	[tilespmem:v54+s10+$0x0] =	vst.idx.msk $0xffff, v49  }
0x55: {  	[tilespmem:v14+s10+$0x0] =	vst.idx.msk $0xffff, v8  }
0x56: {  	v8 =	vld.idx.msk [tilespmem:v55+s8+$0x0], $0xffff;
	_ =	sdelay $0x4  }
0x57: {  	v57 =	vshra.s32 v8, $0x6  }
0x58: {  	v8 =	vand.u32 $0x3F, v8;
	v58 =	vshll.u32 v57, $0x4  }
0x59: {  	v59 =	vshll.u32 v8, $0x4;
	v10 =	vor.u32 v1, v58  }
0x5a: {  	v11 =	vor.u32 v1, v59;
	_ =	sdelay $0x3  }
0x5b: {  	v12 =	vld.idx.msk [tilespmem:v10+s9+$0x0], $0xffff  }
0x5c: {  	v60 =	vld.idx.msk [tilespmem:v11+s9+$0x0], $0xffff  }
0x5d: {  	v61 =	vand.u32 $0x7F, v55  }
0x5e: {  	v62 =	vor.u32 v2, v61  }
0x5f: {  	p0 =	sne.s32 s11, $0x3C;
	v14 =	vor.u32 v4, v61  }
.Ltmp1:
0x60: {  	v12 =	vadd.s32 $0x1, v12;
	(pc) =	sbr.rel @p0 .LBB2_3-.Ltmp1, $4  }
0x61: {  	v63 =	vadd.s32 $0x1, v60;
	[tilespmem:v10+s9+$0x0] =	vst.idx.msk $0xffff, v12  }
0x62: {  	[tilespmem:v11+s9+$0x0] =	vst.idx.msk $0xffff, v63  }
0x63: {  	[tilespmem:v62+s10+$0x0] =	vst.idx.msk $0xffff, v57  }
0x64: {  	s11 =	sadd.s32 $0x4, s11;
	[tilespmem:v14+s10+$0x0] =	vst.idx.msk $0xffff, v8  }
0x65: {  	s8 =	simm.s32 $0x10;
	v3 =	vlaneseq.u32  }
0x66: {  	s9 =	simm.s32 $0x0;
	v1 =	vor.u32 s8, v3  }
0x67: {  	s8 =	sshll.u32 s2, $0x8;
	v4 =	vor.u32 s9, v3  }
0x68: {  	s10 =	simm.s32 $0x1900;
	s9 =	simm.s32 $0x0;
	s7 =	sadd.s32 s7, s8  }
0x69: {  	[hbm4b:s7+s9] =	stream.linear.scatter [tilespmem:s10], [sflag:$0x2], $0x800, $0x38;
	[tilespmem:$0x32C0] =	vst v63  }
0x6a: {  	s7 =	simm.s32 $0xC00  }
0x6b: {  	v8 =	vld.idx.msk [tilespmem:v1+s7+$0x0], $0xffff  }
0x6c: {  	v11 =	vld.idx.msk [tilespmem:v4+s7+$0x0], $0xffff;
	_ =	sdelay $0x2  }
0x6d: {  	s29 =	simm.s32 $0x30  }
0x6e: {  	s11 =	simm.s32 $0x20;
	v2 =	vor.u32 s29, v3;
	(xrf0) =	vadd.scan.msk.s32 $0xffff, v8  }
0x6f: {  	v6 =	vor.u32 s11, v3;
	(xrf0) =	vadd.scan.msk.s32 $0xffff, v11;
	_ =	sdelay $0x2  }
0x70: {  	s30 =	simm.s32 $0x50  }
0x71: {  	s31 =	simm.s32 $0x40;
	v7 =	vor.u32 s30, v3;
	v10 =	vld.idx.msk [tilespmem:v2+s7+$0x0], $0xffff  }
0x72: {  	v5 =	vor.u32 s31, v3;
	v12 =	vld.idx.msk [tilespmem:v6+s7+$0x0], $0xffff;
	v13, _, _ =	vpop (xrf0)  }
0x73: {  	v15, _, _ =	vpop (xrf0)  }
0x74: {  	v8 =	vsub.s32 v13, v8;
	v14 =	vsub.s32 v15, v11;
	_ =	sdelay $0x1  }
0x75: {  	v9 =	vld.idx.msk [tilespmem:v7+s7+$0x0], $0xffff;
	(xrf0) =	vadd.scan.msk.s32 $0xffff, v10;
	[tilespmem:v1+s7+$0x0] =	vst.idx.msk $0xffff, v8  }
0x76: {  	s12 =	simm.s32 $0x70;
	s11 =	simm.s32 $0x4;
	s10 =	simm.s32 $0x1000;
	(xrf0) =	vadd.scan.msk.s32 $0xffff, v12;
	v11 =	vld.idx.msk [tilespmem:v5+s7+$0x0], $0xffff;
	[tilespmem:v4+s7+$0x0] =	vst.idx.msk $0xffff, v14;
	v8 =	vmov v7;
	v14 =	vmov v2  }
.LBB2_5:
0x77: {  	v16 =	vmov v7  }
0x78: {  	s13 =	sadd.s32 $0xFFFFFFF0, s12;
	v7 =	vor.u32 s12, v3;
	s11 =	sadd.s32 $0x2, s11;
	[tilespmem:v4+s10+$0x0] =	vst.idx.msk $0xffff, v15;
	v4 =	vmov v6;
	v6 =	vmov v5  }
0x79: {  	v5 =	vor.u32 s13, v3;
	p0 =	slt.u32 s11, $0x3E;
	[tilespmem:v1+s10+$0x0] =	vst.idx.msk $0xffff, v13;
	v1 =	vmovc v2;
	v2 =	vmov v8;
	v8 =	vmov v7  }
.Ltmp2:
0x7a: {  	(pc) =	sbr.rel @p0 .LBB2_5-.Ltmp2, $4  }
0x7b: {  	v13, _, _ =	vpop (xrf0)  }
0x7c: {  	(xrf0) =	vadd.scan.msk.s32 $0xffff, v9;
	v17 =	vsub.s32 v13, v10;
	v15, _, _ =	vpop (xrf0);
	v10 =	vmov v9  }
0x7d: {  	v9 =	vld.idx.msk [tilespmem:v7+s7+$0x0], $0xffff;
	(xrf0) =	vadd.scan.msk.s32 $0xffff, v11;
	v18 =	vsub.s32 v15, v12;
	[tilespmem:v14+s7+$0x0] =	vst.idx.msk $0xffff, v17;
	v14 =	vmov v16  }
0x7e: {  	s12 =	sadd.s32 $0x20, s12;
	v12 =	vmov v11;
	[tilespmem:v4+s7+$0x0] =	vst.idx.msk $0xffff, v18;
	v11 =	vld.idx.msk [tilespmem:v5+s7+$0x0], $0xffff  }
0x7f: {  	_ =	sdelay $0x2  }
0x80: {  	(xrf0) =	vadd.scan.msk.s32 $0xffff, v9  }
0x81: {  	(xrf0) =	vadd.scan.msk.s32 $0xffff, v11  }
0x82: {  	[tilespmem:v4+s10+$0x0] =	vst.idx.msk $0xffff, v15;
	v16, _, _ =	vpop (xrf0)  }
0x83: {  	[tilespmem:v1+s10+$0x0] =	vst.idx.msk $0xffff, v13;
	v4, _, _ =	vpop (xrf0);
	v1 =	vsub.s32 v16, v10  }
0x84: {  	v3 =	vsub.s32 v4, v12;
	[tilespmem:v14+s7+$0x0] =	vst.idx.msk $0xffff, v1;
	v1 =	vlaneseq.u32  }
0x85: {  	[tilespmem:v6+s7+$0x0] =	vst.idx.msk $0xffff, v3;
	v3 =	vor.u32 s9, v1  }
0x86: {  	[tilespmem:v6+s10+$0x0] =	vst.idx.msk $0xffff, v4;
	v6 =	vshll.u32 v3, $0x4;
	v4, _, _ =	vpop (xrf0)  }
0x87: {  	[tilespmem:v2+s10+$0x0] =	vst.idx.msk $0xffff, v16;
	v6 =	vor.u32 $0xF, v6;
	v2 =	vsub.s32 v4, v9;
	v62, _, _ =	vpop (xrf0)  }
0x88: {  	v63 =	vsub.s32 v62, v11;
	[tilespmem:v7+s7+$0x0] =	vst.idx.msk $0xffff, v2  }
0x89: {  	s31 =	simm.s32 $0x10;
	[tilespmem:v5+s7+$0x0] =	vst.idx.msk $0xffff, v63  }
0x8a: {  	v2 =	vor.u32 s31, v1;
	[tilespmem:v8+s10+$0x0] =	vst.idx.msk $0xffff, v4  }
0x8b: {  	s9 =	simm.s32 $0x1000;
	[tilespmem:v5+s10+$0x0] =	vst.idx.msk $0xffff, v62;
	v5 =	vshll.u32 v2, $0x4  }
0x8c: {  	s7 =	simm.s32 $0x1400;
	s10 =	simm.s32 $0x20;
	v4 =	vld.idx.msk [tilespmem:v6+s9+$0x0], $0xffff;
	v5 =	vor.u32 $0xF, v5  }
.LBB2_7:
0x8d: {  	p0 =	sne.s32 s10, $0x30  }
.Ltmp3:
0x8e: {  	_ = 	snop;
	(pc) =	sbr.rel @p0 .LBB2_7-.Ltmp3, $4  }
0x8f: {  	_ = 	snop  }
0x90: {  	v6 =	vor.u32 s10, v1;
	s10 =	sadd.s32 $0x10, s10  }
0x91: {  	v7 =	vshll.u32 v6, $0x4;
	[tilespmem:v3+s7+$0x0] =	vst.idx.msk $0xffff, v4;
	v4 =	vld.idx.msk [tilespmem:v5+s9+$0x0], $0xffff;
	v3 =	vmov v2;
	v2 =	vmov v6  }
0x92: {  	v5 =	vor.u32 $0xF, v7  }
0x93: {  	_ =	sdelay $0x3  }
0x94: {  	v1 =	vld.idx.msk [tilespmem:v5+s9+$0x0], $0xffff;
	_ =	sdelay $0x3  }
0x95: {  	s28 =	sshrl.u32 s8, $0x2;
	[tilespmem:v3+s7+$0x0] =	vst.idx.msk $0xffff, v4  }
0x96: {  	s30 =	simm.s32 $0x1400;
	s31 =	simm.s32 $0x3;
	s29 =	sadd.s32 s28, s6;
	[tilespmem:v2+s7+$0x0] =	vst.idx.msk $0xffff, v1  }
0x97: {  	[spmem:s29] =	stream.linear.scatter [tilespmem:s30], [sflag:$0x3], $0x40, $0x38;
	[tilespmem:$0x32C0] =	vst v63  }
0x98: {  	_ =	swait.ge [sflag:s31], $0x40  }
0x99: {  	[sflag:s31] =	ssyncset.done $0x0  }
0x9a: {  	[sflag:s31] =	ssyncadd.s32 $0xFFFFFFC0  }
0x9b: {  	s7 =	simm.s32 $0x1500;
	[bflag:$0x0] =	sbarrier.arrive $0xFFFF  }
0x9c: {  	[tilespmem:s7], [sflag:$0x3] =	stream.linear.gather [spmem:s6], $0x400, $0x38;
	[tilespmem:$0x32C0] =	vst v63  }
0x9d: {  	_ =	swait.ge [sflag:s31], $0x400  }
0x9e: {  	(v2sf) =	vpush v0, $0x0;
	_ =	sdelay $0x6  }
0x9f: {  	v0 =	vlaneseq.u32  }
0xa0: {  	v1 =	vor.u32 $0x10, v0  }
0xa1: {  	v2 =	vor.u32 $0x20, v0  }
0xa2: {  	p0 =	seq.s32 s2, $0x0;
	[sflag:s31] =	ssyncset.done $0x0;
	v3 =	vor.u32 $0x30, v0  }
.Ltmp4:
0xa3: {  	v63 =	vimm.s32 $0x0;
	s9 =	simm.s32 $0x1480;
	[sflag:s31] =	ssyncadd.s32 $0xFFFFFC00;
	(pc) =	sbr.rel @p0 .LBB2_13-.Ltmp4, $4  }
0xa4: {  	[tilespmem:v0+s9+$0x0] =	vst.idx.msk $0xffff, v63  }
0xa5: {  	[tilespmem:v1+s9+$0x0] =	vst.idx.msk $0xffff, v63  }
0xa6: {  	[tilespmem:v2+s9+$0x0] =	vst.idx.msk $0xffff, v63  }
0xa7: {  	[tilespmem:v3+s9+$0x0] =	vst.idx.msk $0xffff, v63;
	s6 =	spop (v2sf)  }
0xa8: {  	s10 =	simm.s32 $0x0;
	s11 =	simm.s32 $0x0  }
.LBB2_10:
0xa9: {  	s12 =	sshll.u32 s11, $0x6  }
0xaa: {  	v1 =	vor.u32 s10, v0;
	s13 =	sor.u32 s12, s10  }
0xab: {  	v2 =	vor.u32 s13, v0;
	_ =	sdelay $0x3  }
0xac: {  	v3 =	vld.idx.msk [tilespmem:v1+s9+$0x0], $0xffff  }
0xad: {  	v4 =	vld.idx.msk [tilespmem:v2+s7+$0x0], $0xffff  }
0xae: {  	s31 =	simm.s32 $0x10  }
0xaf: {  	s14 =	sor.u32 s12, s31;
	s13 =	simm.s32 $0x20;
	v2 =	vor.u32 s31, v0  }
.LBB2_11:
0xb0: {  	p0 =	sne.s32 s13, $0x30;
	v5 =	vor.u32 s14, v0;
	_ =	sdelay $0x1  }
0xb1: {  	v3 =	vadd.s32 v4, v3  }
0xb2: {  	[tilespmem:v1+s9+$0x0] =	vst.idx.msk $0xffff, v3;
	v1 =	vmov v2  }
.Ltmp5:
0xb3: {  	v3 =	vld.idx.msk [tilespmem:v2+s9+$0x0], $0xffff;
	(pc) =	sbr.rel @p0 .LBB2_11-.Ltmp5, $2  }
0xb4: {  	v4 =	vld.idx.msk [tilespmem:v5+s7+$0x0], $0xffff;
	_ =	sdelay $0x2  }
0xb5: {  	s14 =	sor.u32 s12, s13;
	v2 =	vor.u32 s13, v0;
	s13 =	sadd.s32 $0x10, s13  }
0xb6: {  	_ = 	snop  }
0xb7: {  	v5 =	vor.u32 s14, v0;
	_ =	sdelay $0x1  }
0xb8: {  	v3 =	vadd.s32 v4, v3  }
0xb9: {  	[tilespmem:v1+s9+$0x0] =	vst.idx.msk $0xffff, v3  }
0xba: {  	v1 =	vld.idx.msk [tilespmem:v2+s9+$0x0], $0xffff  }
0xbb: {  	s11 =	sadd.s32 $0x1, s11;
	v3 =	vld.idx.msk [tilespmem:v5+s7+$0x0], $0xffff  }
0xbc: {  	p0 =	sne.s32 s11, s2  }
.Ltmp6:
0xbd: {  	_ = 	snop;
	(pc) =	sbr.rel @p0 .LBB2_10-.Ltmp6, $3  }
0xbe: {  	_ =	sdelay $0x1  }
0xbf: {  	v1 =	vadd.s32 v3, v1  }
0xc0: {  	[tilespmem:v2+s9+$0x0] =	vst.idx.msk $0xffff, v1  }
.LBB2_13:
0xc1: {  	s7 =	simm.s32 $0x0;
	s10 =	simm.s32 $0x10  }
0xc2: {  	s25 =	simm.s32 $0x1;
	v1 =	vor.u32 s10, v0;
	v2 =	vmov s7  }
0xc3: {  	v4 =	vmov s25;
	v2 =	vand.u32 $0xFFFFFFFE, v2  }
0xc4: {  	v5 =	vbroadcast v2, $0x0  }
0xc5: {  	s26 =	simm.s32 $0x0  }
0xc6: {  	s29 =	simm.s32 $0x3;
	s30 =	simm.s32 $0x2;
	s10 =	simm.s32 $0xC00;
	v3 =	vor.u32 s26, v0  }
0xc7: {  	s28 =	simm.s32 $0x30;
	v9 =	vmov s29;
	v6 =	vmov s30;
	v11 =	vld.idx.msk [tilespmem:v1+s10+$0x0], $0xffff  }
0xc8: {  	v6 =	vand.u32 $0xFFFFFFFE, v6;
	v2 =	vor.u32 s28, v0;
	v13 =	vld.idx.msk [tilespmem:v4+s9+$0x0], $0xffff  }
0xc9: {  	s12 =	simm.s32 $0x4;
	v10 =	vbroadcast v6, $0x0  }
0xca: {  	s31 =	simm.s32 $0x20;
	v7 =	vmov s12;
	v4 =	vld.idx.msk [tilespmem:v5+s9+$0x0], $0xffff  }
0xcb: {  	s11 =	simm.s32 $0x50;
	v12 =	vand.u32 $0xFFFFFFFE, v7;
	v7 =	vor.u32 s31, v0;
	v5 =	vld.idx.msk [tilespmem:v3+s10+$0x0], $0xffff  }
0xcc: {  	s7 =	sadd.s32 s4, s8;
	s4 =	sadd.s32 s5, s8;
	v6 =	vor.u32 s11, v0;
	v9 =	vld.idx.msk [tilespmem:v9+s9+$0x0], $0xffff  }
0xcd: {  	s5 =	simm.s32 $0x6;
	s8 =	simm.s32 $0x40;
	s12 =	simm.s32 $0x5;
	v12 =	vbroadcast v12, $0x0;
	v8 =	vld.idx.msk [tilespmem:v2+s10+$0x0], $0xffff;
	v13 =	vadd.s32 v13, v11;
	v11 =	vmov v6  }
.LBB2_14:
0xce: {  	p0 =	slt.u32 s5, $0x3E  }
0xcf: {  	v14 =	vor.u32 s8, v0;
	v15 =	vmov s12;
	s11 =	sadd.s32 $0x20, s11;
	[tilespmem:v1+s10+$0x0] =	vst.idx.msk $0xffff, v13;
	v13 =	vmovc v4;
	v4 =	vld.idx.msk [tilespmem:v10+s9+$0x0], $0xffff;
	v1 =	vmovc v2;
	v2 =	vmov v6;
	s12 =	smov.u32 s5;
	s5 =	sadd.s32 $0x2, s5  }
.Ltmp7:
0xd0: {  	v6 =	vor.u32 s11, v0;
	v13 =	vadd.s32 v13, v5;
	v5 =	vld.idx.msk [tilespmem:v7+s10+$0x0], $0xffff;
	v10 =	vmov v12;
	(pc) =	sbr.rel @p0 .LBB2_14-.Ltmp7, $4  }
0xd1: {  	[tilespmem:v3+s10+$0x0] =	vst.idx.msk $0xffff, v13;
	v3 =	vmov v7;
	v7 =	vmov v14  }
0xd2: {  	v12 =	vmov s12  }
0xd3: {  	v12 =	vand.u32 $0xFFFFFFFE, v12;
	v13 =	vmov v8;
	v8 =	vld.idx.msk [tilespmem:v11+s10+$0x0], $0xffff;
	v11 =	vmov v6  }
0xd4: {  	s8 =	sadd.s32 $0xFFFFFFF0, s11;
	s12 =	sadd.s32 $0x1, s12;
	v12 =	vbroadcast v12, $0x0;
	v13 =	vadd.s32 v9, v13;
	v9 =	vld.idx.msk [tilespmem:v15+s9+$0x0], $0xffff  }
0xd5: {  	_ =	sdelay $0x2  }
0xd6: {  	v14 =	vmov s12  }
0xd7: {  	v0 =	vor.u32 s8, v0;
	v10 =	vld.idx.msk [tilespmem:v10+s9+$0x0], $0xffff  }
0xd8: {  	v15 =	vld.idx.msk [tilespmem:v7+s10+$0x0], $0xffff  }
0xd9: {  	v11 =	vld.idx.msk [tilespmem:v11+s10+$0x0], $0xffff  }
0xda: {  	v12 =	vld.idx.msk [tilespmem:v12+s9+$0x0], $0xffff  }
0xdb: {  	v14 =	vld.idx.msk [tilespmem:v14+s9+$0x0], $0xffff  }
0xdc: {  	v16 =	vld.idx.msk [tilespmem:v0+s10+$0x0], $0xffff  }
0xdd: {  	[tilespmem:v1+s10+$0x0] =	vst.idx.msk $0xffff, v13;
	v1 =	vadd.s32 v4, v5  }
0xde: {  	[tilespmem:v3+s10+$0x0] =	vst.idx.msk $0xffff, v1;
	v1 =	vadd.s32 v9, v8  }
0xdf: {  	[tilespmem:v2+s10+$0x0] =	vst.idx.msk $0xffff, v1;
	v1 =	vadd.s32 v10, v15  }
0xe0: {  	[tilespmem:v7+s10+$0x0] =	vst.idx.msk $0xffff, v1;
	v1 =	vadd.s32 v14, v11  }
0xe1: {  	[tilespmem:v6+s10+$0x0] =	vst.idx.msk $0xffff, v1;
	v1 =	vadd.s32 v12, v16  }
0xe2: {  	s5 =	simm.s32 $0x1;
	[tilespmem:v0+s10+$0x0] =	vst.idx.msk $0xffff, v1  }
0xe3: {  	_ =	swait.ge [sflag:s5], $0x400  }
0xe4: {  	v0 =	vlaneseq.u32;
	[sflag:s5] =	ssyncset.done $0x0  }
0xe5: {  	s8 =	simm.s32 $0xC00;
	v1 =	vshrl.u32 v0, $0x1;
	v2 =	vmul.u32 $0x40, v0;
	[sflag:s5] =	ssyncadd.s32 $0xFFFFFC00  }
0xe6: {  	s11 =	simm.s32 $0x800;
	s12 =	simm.s32 $0x2100;
	v1 =	vmul.u32 $0x100, v1;
	_ =	swait.ge [sflag:s5], $0x400  }
0xe7: {  	s13 =	simm.s32 $0x0;
	v3 =	vimm.f32 $0.0e+00;
	s9 =	simm.s32 $0x2900;
	v5 =	vor.u32 $0x1, v2;
	[sflag:s5] =	ssyncset.done $0x0  }
0xe8: {  	s10 =	simm.s32 $0x400;
	v6 =	vor.u32 $0x2, v2;
	v7 =	vor.u32 $0x3, v2;
	v4 =	vor.u32 $0x80, v1;
	[sflag:s5] =	ssyncadd.s32 $0xFFFFFC00;
	s5 =	simm.s32 $0x0  }
.LBB2_16:
0xe9: {  	v8 =	vor.u32 s13, v2;
	_ =	sdelay $0x4  }
0xea: {  	v9 =	vld.idx.msk [tilespmem:v8+s5+$0x0], $0xffff;
	_ =	sdelay $0x4  }
0xeb: {  	v10 =	vshra.s32 v9, $0x2  }
0xec: {  	v9 =	vshll.u32 v9, $0x4;
	v10 =	vand.u32 $0xFFFFFFF0, v10  }
0xed: {  	v9 =	vor.u32 v0, v9;
	v10 =	vor.u32 v0, v10  }
0xee: {  	v9 =	vand.u32 $0x3FF, v9;
	_ =	sdelay $0x3  }
0xef: {  	v11 =	vld.idx.msk [tilespmem:v10+s8+$0x0], $0xffff  }
0xf0: {  	v12 =	vld.idx.msk [tilespmem:v9+s8+$0x0], $0xffff  }
0xf1: {  	v13 =	vand.u32 $0x7C, v8  }
0xf2: {  	v14 =	vor.u32 v1, v13  }
0xf3: {  	v13 =	vor.u32 v4, v13  }
0xf4: {  	v15 =	vadd.s32 $0x1, v11  }
0xf5: {  	v30 =	vadd.s32 $0x1, v12;
	vm0 =	vlt.s32 v11, $0x140;
	[tilespmem:v10+s8+$0x0] =	vst.idx.msk $0xffff, v15  }
0xf6: {  	vm9 =	vlt.s32 v12, $0x140;
	v31 =	vsel vm0, $0x3F800000, v3;
	[tilespmem:v9+s8+$0x0] =	vst.idx.msk $0xffff, v30  }
0xf7: {  	v32 =	vsel vm9, $0x3F800000, v3;
	[tilespmem:v14+s9+$0x0] =	vst.idx.msk $0xffff, v31  }
0xf8: {  	[tilespmem:v13+s9+$0x0] =	vst.idx.msk $0xffff, v32  }
0xf9: {  	v33 =	vld.idx.msk [tilespmem:v8+s10+$0x0], $0xffff  }
0xfa: {  	v8 =	vld.idx.msk [tilespmem:v8+s11+$0x0], $0xffff;
	_ =	sdelay $0x4  }
0xfb: {  	v9 =	vmul.f32 v33, v31;
	v8 =	vmul.f32 v8, v32;
	_ =	sdelay $0x1  }
0xfc: {  	v10 =	vadd.f32 v8, v9;
	_ =	sdelay $0x1  }
0xfd: {  	v10 =	vmax.f32 v10, $9.999999930e-09  }
0xfe: {  	(erf) = vrcp.f32 v10;
	_ =	sdelay $0x8  }
0xff: {  	v34 =	vor.u32 s13, v5;
	v10 =	vpop (erf)  }
0x100: {  	v9 =	vmul.f32 v10, v9  }
0x101: {  	v8 =	vmul.f32 v10, v8  }
0x102: {  	[tilespmem:v14+s12+$0x0] =	vst.idx.msk $0xffff, v9  }
0x103: {  	[tilespmem:v13+s12+$0x0] =	vst.idx.msk $0xffff, v8  }
0x104: {  	v8 =	vld.idx.msk [tilespmem:v34+s5+$0x0], $0xffff;
	_ =	sdelay $0x4  }
0x105: {  	v35 =	vshra.s32 v8, $0x2  }
0x106: {  	v8 =	vshll.u32 v8, $0x4;
	v9 =	vand.u32 $0xFFFFFFF0, v35  }
0x107: {  	v8 =	vor.u32 v0, v8;
	v9 =	vor.u32 v0, v9  }
0x108: {  	v8 =	vand.u32 $0x3FF, v8;
	_ =	sdelay $0x3  }
0x109: {  	v36 =	vld.idx.msk [tilespmem:v9+s8+$0x0], $0xffff  }
0x10a: {  	v37 =	vld.idx.msk [tilespmem:v8+s8+$0x0], $0xffff  }
0x10b: {  	v38 =	vand.u32 $0x7D, v34  }
0x10c: {  	v39 =	vor.u32 v1, v38  }
0x10d: {  	v13 =	vor.u32 v4, v38  }
0x10e: {  	v40 =	vadd.s32 $0x1, v36  }
0x10f: {  	v41 =	vadd.s32 $0x1, v37;
	vm10 =	vlt.s32 v36, $0x140;
	[tilespmem:v9+s8+$0x0] =	vst.idx.msk $0xffff, v40  }
0x110: {  	vm11 =	vlt.s32 v37, $0x140;
	[tilespmem:v8+s8+$0x0] =	vst.idx.msk $0xffff, v41;
	v8 =	vsel vm10, $0x3F800000, v3  }
0x111: {  	v42 =	vsel vm11, $0x3F800000, v3;
	[tilespmem:v39+s9+$0x0] =	vst.idx.msk $0xffff, v8  }
0x112: {  	[tilespmem:v13+s9+$0x0] =	vst.idx.msk $0xffff, v42  }
0x113: {  	v43 =	vld.idx.msk [tilespmem:v34+s10+$0x0], $0xffff  }
0x114: {  	v11 =	vld.idx.msk [tilespmem:v34+s11+$0x0], $0xffff;
	_ =	sdelay $0x4  }
0x115: {  	v8 =	vmul.f32 v43, v8;
	v9 =	vmul.f32 v11, v42;
	_ =	sdelay $0x1  }
0x116: {  	v10 =	vadd.f32 v9, v8;
	_ =	sdelay $0x1  }
0x117: {  	v10 =	vmax.f32 v10, $9.999999930e-09  }
0x118: {  	(erf) = vrcp.f32 v10;
	_ =	sdelay $0x8  }
0x119: {  	v44 =	vor.u32 s13, v6;
	v10 =	vpop (erf)  }
0x11a: {  	v8 =	vmul.f32 v10, v8  }
0x11b: {  	v9 =	vmul.f32 v10, v9  }
0x11c: {  	[tilespmem:v39+s12+$0x0] =	vst.idx.msk $0xffff, v8  }
0x11d: {  	[tilespmem:v13+s12+$0x0] =	vst.idx.msk $0xffff, v9  }
0x11e: {  	v8 =	vld.idx.msk [tilespmem:v44+s5+$0x0], $0xffff;
	_ =	sdelay $0x4  }
0x11f: {  	v45 =	vshra.s32 v8, $0x2  }
0x120: {  	v8 =	vshll.u32 v8, $0x4;
	v9 =	vand.u32 $0xFFFFFFF0, v45  }
0x121: {  	v8 =	vor.u32 v0, v8;
	v9 =	vor.u32 v0, v9  }
0x122: {  	v8 =	vand.u32 $0x3FF, v8;
	_ =	sdelay $0x3  }
0x123: {  	v46 =	vld.idx.msk [tilespmem:v9+s8+$0x0], $0xffff  }
0x124: {  	v47 =	vld.idx.msk [tilespmem:v8+s8+$0x0], $0xffff  }
0x125: {  	v48 =	vand.u32 $0x7E, v44  }
0x126: {  	v49 =	vor.u32 v1, v48  }
0x127: {  	v13 =	vor.u32 v4, v48  }
0x128: {  	v50 =	vadd.s32 $0x1, v46  }
0x129: {  	v51 =	vadd.s32 $0x1, v47;
	vm12 =	vlt.s32 v46, $0x140;
	[tilespmem:v9+s8+$0x0] =	vst.idx.msk $0xffff, v50  }
0x12a: {  	vm13 =	vlt.s32 v47, $0x140;
	[tilespmem:v8+s8+$0x0] =	vst.idx.msk $0xffff, v51;
	v8 =	vsel vm12, $0x3F800000, v3  }
0x12b: {  	v52 =	vsel vm13, $0x3F800000, v3;
	[tilespmem:v49+s9+$0x0] =	vst.idx.msk $0xffff, v8  }
0x12c: {  	[tilespmem:v13+s9+$0x0] =	vst.idx.msk $0xffff, v52  }
0x12d: {  	v53 =	vld.idx.msk [tilespmem:v44+s10+$0x0], $0xffff  }
0x12e: {  	v11 =	vld.idx.msk [tilespmem:v44+s11+$0x0], $0xffff;
	_ =	sdelay $0x4  }
0x12f: {  	v8 =	vmul.f32 v53, v8;
	v9 =	vmul.f32 v11, v52;
	_ =	sdelay $0x1  }
0x130: {  	v10 =	vadd.f32 v9, v8;
	_ =	sdelay $0x1  }
0x131: {  	v10 =	vmax.f32 v10, $9.999999930e-09  }
0x132: {  	(erf) = vrcp.f32 v10;
	_ =	sdelay $0x8  }
0x133: {  	v54 =	vor.u32 s13, v7;
	v10 =	vpop (erf)  }
0x134: {  	v8 =	vmul.f32 v10, v8  }
0x135: {  	v9 =	vmul.f32 v10, v9  }
0x136: {  	[tilespmem:v49+s12+$0x0] =	vst.idx.msk $0xffff, v8  }
0x137: {  	[tilespmem:v13+s12+$0x0] =	vst.idx.msk $0xffff, v9  }
0x138: {  	v8 =	vld.idx.msk [tilespmem:v54+s5+$0x0], $0xffff;
	_ =	sdelay $0x4  }
0x139: {  	v55 =	vshra.s32 v8, $0x2  }
0x13a: {  	v8 =	vshll.u32 v8, $0x4;
	v9 =	vand.u32 $0xFFFFFFF0, v55  }
0x13b: {  	v8 =	vor.u32 v0, v8;
	v9 =	vor.u32 v0, v9  }
0x13c: {  	v8 =	vand.u32 $0x3FF, v8;
	_ =	sdelay $0x3  }
0x13d: {  	v56 =	vld.idx.msk [tilespmem:v9+s8+$0x0], $0xffff  }
0x13e: {  	v57 =	vld.idx.msk [tilespmem:v8+s8+$0x0], $0xffff  }
0x13f: {  	v58 =	vand.u32 $0x7F, v54  }
0x140: {  	v59 =	vor.u32 v1, v58  }
0x141: {  	v13 =	vor.u32 v4, v58  }
0x142: {  	v60 =	vadd.s32 $0x1, v56  }
0x143: {  	vm14 =	vlt.s32 v56, $0x140;
	v61 =	vadd.s32 $0x1, v57;
	[tilespmem:v9+s8+$0x0] =	vst.idx.msk $0xffff, v60  }
0x144: {  	vm15 =	vlt.s32 v57, $0x140;
	[tilespmem:v8+s8+$0x0] =	vst.idx.msk $0xffff, v61;
	v8 =	vsel vm14, $0x3F800000, v3  }
0x145: {  	v62 =	vsel vm15, $0x3F800000, v3;
	[tilespmem:v59+s9+$0x0] =	vst.idx.msk $0xffff, v8  }
0x146: {  	[tilespmem:v13+s9+$0x0] =	vst.idx.msk $0xffff, v62  }
0x147: {  	v63 =	vld.idx.msk [tilespmem:v54+s10+$0x0], $0xffff  }
0x148: {  	v11 =	vld.idx.msk [tilespmem:v54+s11+$0x0], $0xffff;
	_ =	sdelay $0x4  }
0x149: {  	v8 =	vmul.f32 v63, v8;
	v9 =	vmul.f32 v11, v62;
	_ =	sdelay $0x1  }
0x14a: {  	v10 =	vadd.f32 v9, v8;
	_ =	sdelay $0x1  }
0x14b: {  	v10 =	vmax.f32 v10, $9.999999930e-09  }
0x14c: {  	(erf) = vrcp.f32 v10;
	_ =	sdelay $0x7  }
0x14d: {  	p0 =	sne.s32 s13, $0x3C  }
.Ltmp8:
0x14e: {  	v10 =	vpop (erf);
	(pc) =	sbr.rel @p0 .LBB2_16-.Ltmp8, $4  }
0x14f: {  	v8 =	vmul.f32 v10, v8  }
0x150: {  	v9 =	vmul.f32 v10, v9  }
0x151: {  	[tilespmem:v59+s12+$0x0] =	vst.idx.msk $0xffff, v8  }
0x152: {  	s13 =	sadd.s32 $0x4, s13;
	[tilespmem:v13+s12+$0x0] =	vst.idx.msk $0xffff, v9  }
0x153: {  	s5 =	simm.s32 $0x0;
	s8 =	simm.s32 $0x2100  }
0x154: {  	[hbm4b:s7+s5] =	stream.linear.scatter [tilespmem:s8], [sflag:$0x2], $0x800, $0x38;
	[tilespmem:$0x32C0] =	vst v63  }
0x155: {  	s30 =	simm.s32 $0x2900;
	s31 =	simm.s32 $0x2  }
0x156: {  	[hbm4b:s4+s5] =	stream.linear.scatter [tilespmem:s30], [sflag:$0x2], $0x800, $0x38;
	[tilespmem:$0x32C0] =	vst v63  }
0x157: {  	_ =	swait.ge [sflag:s31], $0x800  }
0x158: {  	[sflag:s31] =	ssyncset.done $0x0  }
0x159: {  	[sflag:s31] =	ssyncadd.s32 $0xFFFFF800  }
0x15a: {  	_ =	swait.ge [sflag:s31], $0x800  }
0x15b: {  	[sflag:s31] =	ssyncset.done $0x0  }
0x15c: {  	[sflag:s31] =	ssyncadd.s32 $0xFFFFF800  }
0x15d: {  	_ =	swait.ge [sflag:s31], $0x800  }
0x15e: {  	[sflag:s31] =	ssyncset.done $0x0  }
0x15f: {  	p0 =	sne.s32 s2, $0x0;
	[sflag:s31] =	ssyncadd.s32 $0xFFFFF800  }
0x160: {  	_ =	sfence.sel @p0 $0x180000  }
0x161: {  	[bflag:$0x0] =	sbarrier.arrive @p0 $0xFFFF  }
0x162: {  	_ =	strace @p0 $0x90000047  }
0x163: {  	[bflag:$0x2] =	sbarrier.arrive @p0 $0xFFFF  }
0x164: {  	_ =	shalt @p0  }
.LBB2_18:
0x165: {  	s2 =	simm.s32 $0x3100;
	s31 =	simm.s32 $0x3  }
0x166: {  	[tilespmem:s2], [sflag:$0x3] =	stream.linear.gather [hbm4b:s3+s5], $0x80, $0x38;
	[tilespmem:$0x32C0] =	vst v63  }
0x167: {  	_ =	swait.ge [sflag:s31], $0x80  }
0x168: {  	[sflag:s31] =	ssyncset.done $0x0  }
0x169: {  	v0 =	vimm.f32 $0.0e+00;
	v1 =	vlaneseq.u32;
	s3 =	simm.s32 $0x1500;
	[sflag:s31] =	ssyncadd.s32 $0xFFFFFF80  }
.LBB2_19:
0x16a: {  	s4 =	sshll.u32 s5, $0x4;
	s7 =	simm.s32 $0x0  }
0x16b: {  	s7 =	sor.u32 s4, s7  }
0x16c: {  	v4 =	vor.u32 s7, v1;
	_ =	sdelay $0x2  }
0x16d: {  	s31 =	simm.s32 $0x40  }
0x16e: {  	s8 =	sor.u32 s4, s31  }
0x16f: {  	v2 =	vimm.s32 $0x0;
	v3 =	vmov s4;
	s7 =	simm.s32 $0x80;
	v5 =	vor.u32 s8, v1;
	v4 =	vld.idx.msk [tilespmem:v4+s3+$0x0], $0xffff  }
.LBB2_20:
0x170: {  	p0 =	sne.s32 s7, $0x3C0  }
.Ltmp9:
0x171: {  	_ = 	snop;
	(pc) =	sbr.rel @p0 .LBB2_20-.Ltmp9, $3  }
0x172: {  	_ =	sdelay $0x1  }
0x173: {  	s8 =	sor.u32 s4, s7;
	s7 =	sadd.s32 $0x40, s7;
	v2 =	vadd.s32 v2, v4;
	v4 =	vld.idx.msk [tilespmem:v5+s3+$0x0], $0xffff  }
0x174: {  	v5 =	vor.u32 s8, v1  }
0x175: {  	v3 =	vbroadcast v3, $0x0;
	_ =	sdelay $0x1  }
0x176: {  	v3 =	vor.u32 v1, v3;
	_ =	sdelay $0x1  }
0x177: {  	v5 =	vld.idx.msk [tilespmem:v5+s3+$0x0], $0xffff;
	_ =	sdelay $0x2  }
0x178: {  	v3 =	vld.idx.msk [tilespmem:v3+s2+$0x0], $0xffff  }
0x179: {  	v2 =	vadd.s32 v2, v4  }
0x17a: {  	v2 =	vadd.s32 v2, v5  }
0x17b: {  	v2 =	vcvt.s32.f32 v2;
	_ =	sdelay $0x1  }
0x17c: {  	v2 =	vmul.f32 v2, v3;
	_ =	sdelay $0x1  }
0x17d: {  	s5 =	sadd.s32 $0x1, s5;
	v0 =	vadd.f32 v2, v0  }
0x17e: {  	p0 =	sne.s32 s5, $0x4  }
0x17f: {  	(xrf2) =	vadd.scan.msk.f32 @!p0 $0xffff, v0;
	_ =	sdelay $0x9  }
0x180: {  	v0, _, _ =	vpop @!p0 (xrf2)  }
0x181: {  	(v2sf) =	vpush @!p0 v0, $0xF;
	_ =	sdelay $0xe  }
0x182: {  	s2 =	spop @!p0 (v2sf)  }
0x183: {  	s2 =	smul.f32 @!p0 s2, s6;
	_ =	sdelay $0x1  }
0x184: {  	v0 =	vmov @!p0 s2  }
0x185: {  	v0 =	vadd.f32 @!p0 $0.0e+00, v0;
	_ =	sdelay $0x1  }
0x186: {  	v0 =	vbroadcast @!p0 v0, $0x0;
	_ =	sdelay $0x1  }
0x187: {  	s3 =	simm.s32 @!p0 $0x3180;
	s2 =	simm.s32 @!p0 $0x0;
	[tilespmem:$0x3180] =	vst @!p0 v0  }
0x188: {  	[hbm4b:s1+s2] =	stream.linear.scatter @!p0 [tilespmem:s3], [sflag:$0x3], $0x80, $0x38;
	[tilespmem:$0x32C0] =	vst v63  }
0x189: {  	s1 =	simm.s32 @!p0 $0x3  }
0x18a: {  	_ =	swait.ge @!p0 [sflag:s1], $0x80  }
0x18b: {  	[sflag:s1] =	ssyncset.done @!p0 $0x0  }
0x18c: {  	[sflag:s1] =	ssyncadd.s32 @!p0 $0xFFFFFF80  }
0x18d: {  	_ =	sfence.sel @!p0 $0x180000  }
0x18e: {  	[bflag:$0x0] =	sbarrier.arrive @!p0 $0xFFFF  }
0x18f: {  	_ =	strace @!p0 $0x90000047  }
0x190: {  	s0 =	sadd.s32 @!p0 $0x100000, s0;
	[bflag:$0x2] =	sbarrier.arrive @!p0 $0xFFFF  }
0x191: {  	[sflag:s0] =	ssyncadd.tile.s32 @!p0 $0x1;
	_ =	shalt @!p0  }
.Ltmp10:
0x192: {  	_ = 	snop;
	(pc) =	sbr.rel .LBB2_19-.Ltmp10, $4  }
0x193: {  	_ = 	snop  }
0x194: {  	_ = 	snop  }
0x195: {  	_ = 	snop  }
0x196: {  	_ = 	snop  }
.Lfunc_end2:
_tile_overlayer_lowered:
.L_overlay_start_2:
0x197: {  	(tag) =	ssettag $0x2  }
0x198: {  	s0 =	rddreg [dreg:$0x0];
	s2 =	stileid.u32  }
0x199: {  	s1 =	rddreg [dreg:$0x1];
	p0 =	sne.s32 s2, $0x0  }
0x19a: {  	s3 =	rddreg [dreg:$0x2];
	[bflag:$0x3] =	sbarrier.arrive $0xFFFF;
	s2 =	simm.s32 @!p0 $0x1C03  }
0x19b: {  	[timem:s3], [sflag:s2] =	dma.local @!p0 [hbm:s0], s1  }
0x19c: {  	s0 =	simm.s32 @!p0 $0x3  }
0x19d: {  	_ =	swait.ge @!p0 [sflag:s0], s1  }
0x19e: {  	s1 =	ssub.s32 @!p0 $0x0, s1;
	[sflag:s0] =	ssyncset.done @!p0 $0x0  }
0x19f: {  	[sflag:s0] =	ssyncadd.s32 @!p0 s1  }
0x1a0: {  	[bflag:$0x3] =	sbarrier.arrive $0xFFFF  }
0x1a1: {  	_ =	shalt  }

</sc_bundles>
